<compile_context>
chip_gen: v7x
topology: tpu7x:2x2x1
jax: 0.10.2.dev20260603
libtpu: 0.0.44.dev20260713+nightly
codegen_flags: <defaults>
</compile_context>

<pallas_src>
import jax
import jax.numpy as jnp
from jax import lax
from jax.experimental import pallas as pl
from jax.experimental.pallas import tpu as pltpu
from jax.experimental.pallas import tpu_sc as plsc

_N = 100000
_S = 64
_C = 640
_KF = _N // _C
_CT = _N - _KF * _C
_NW = 32
_T = (_KF + _NW - 1) // _NW
_G = _C // 16
_GT = _CT // 16


def _body(idx_hbm, out_hbm, idx_v, buf_v, tidx_v, tbuf_v, isems, osems, tsem):
    c = lax.axis_index("c")
    s = lax.axis_index("s")
    w = s * 2 + c

    lanes = lax.iota(jnp.int32, 16)
    ones = jnp.full((16,), 1.0, jnp.float32)
    zeros = jnp.zeros((16,), jnp.float32)

    cids = [jnp.minimum(w + _NW * t, _KF - 1) for t in range(_T)]

    idx_dmas = []
    for t in range(_T):
        dma = pltpu.make_async_copy(
            idx_hbm.at[pl.ds(cids[t] * _C, _C)], idx_v[t], isems[t]
        )
        dma.start()
        idx_dmas.append(dma)

    def _zero(b, ng):
        def zloop(r, carry):
            rows = lanes * 0 + r
            for u in range(ng):
                plsc.store_scatter(b, [rows, lanes + 16 * u], zeros)
            return carry

        lax.fori_loop(0, _S, zloop, None)

    _zero(buf_v[0], _G)

    def _scatter(buf, idx, val, ng):
        def loop(i, carry):
            ids = idx[pl.ds(i * 16, 16)]
            plsc.store_scatter(buf, [ids, i * 16 + lanes], val)
            return carry

        lax.fori_loop(0, ng, loop, None)

    tdma = pltpu.make_async_copy(
        tbuf_v, out_hbm.at[:, pl.ds(_KF * _C, _CT)], tsem
    )

    @pl.when(w == _NW - 1)
    def _tail():
        pltpu.sync_copy(idx_hbm.at[pl.ds(_KF * _C, _CT)], tidx_v)
        _zero(tbuf_v, _GT)
        _scatter(tbuf_v, tidx_v, ones, _GT)
        tdma.start()

    out_dmas = [None, None]
    for t in range(_T):
        b = t % 2
        if t == 1:
            _zero(buf_v[1], _G)
        if t >= 2:
            out_dmas[b].wait()
            _scatter(buf_v[b], idx_v[t - 2], zeros, _G)
        idx_dmas[t].wait()
        _scatter(buf_v[b], idx_v[t], ones, _G)
        out_dmas[b] = pltpu.make_async_copy(
            buf_v[b], out_hbm.at[:, pl.ds(cids[t] * _C, _C)], osems[b]
        )
        out_dmas[b].start()

    @pl.when(w == _NW - 1)
    def _tail_drain():
        tdma.wait()

    out_dmas[0].wait()
    out_dmas[1].wait()


@jax.jit
def _onehot_sc(species_index):
    mesh = plsc.VectorSubcoreMesh(core_axis_name="c", subcore_axis_name="s")
    f = pl.kernel(
        _body,
        out_type=jax.ShapeDtypeStruct((_S, _N), jnp.float32),
        mesh=mesh,
        compiler_params=pltpu.CompilerParams(needs_layout_passes=False),
        scratch_types=[
            [pltpu.VMEM((_C,), jnp.int32) for _ in range(_T)],
            [pltpu.VMEM((_S, _C), jnp.float32) for _ in range(2)],
            pltpu.VMEM((_CT,), jnp.int32),
            pltpu.VMEM((_S, _CT), jnp.float32),
            [pltpu.SemaphoreType.DMA for _ in range(_T)],
            [pltpu.SemaphoreType.DMA for _ in range(2)],
            pltpu.SemaphoreType.DMA,
        ],
    )
    return f(species_index)


def kernel(species_index, pos):
    return _onehot_sc(species_index).T

# --- scband reference (transcript-rebuilt; emitter-appended) ---
"""Pipeline reference for scband-one-hot-atom-encoding-18571438588416 (READ-ONLY COPY).

The authoritative reference and input builder live on the scoring server;
editing this copy changes nothing except your own understanding.
"""

import jax, jax.numpy as jnp
import numpy as np

NUM_SPECIES = 64
N_NODES = 100000

def setup_inputs(seed: int = 0) -> dict:
    key = jax.random.key(seed)
    k1, k2 = jax.random.split(key)
    species_index = jax.random.randint(k1, (N_NODES,), 0, NUM_SPECIES, dtype=jnp.int64 if jax.config.jax_enable_x64 else jnp.int32).astype(jnp.int32)
    pos = jax.random.normal(k2, (N_NODES, 3), dtype=jnp.float32)
    return {"species_index": species_index, "pos": pos}

def reference(species_index, pos):
    # Faithful translation of OneHotAtomEncoding.forward with SPECIES_INDEX_KEY
    # present in data: one_hot = F.one_hot(type_numbers, num_species).to(pos.dtype)
    one_hot = jax.nn.one_hot(species_index, NUM_SPECIES, dtype=pos.dtype)
    # set_features=True -> node_features is the same tensor as node_attrs;
    # return the one-hot encoding (node_attrs == node_features).
    return one_hot

if __name__ == "__main__":
    import jax
    _d = setup_inputs()
    print(jax.jit(kernel)(*tuple(_d.values())))

</pallas_src>

<mosaic_0001>
#map = affine_map<(d0, d1) -> (0)>
#map1 = affine_map<(d0, d1) -> (0, 0)>
module attributes {stable_mosaic.version = 14 : i64} {
  func.func @_body(%arg0: i32, %arg1: i32, %arg2: memref<100000xi32, #tpu.memory_space<hbm>>, %arg3: memref<64x100000xf32, #tpu.memory_space<hbm>>, %arg4: memref<640xi32, #tpu.memory_space<vmem>>, %arg5: memref<640xi32, #tpu.memory_space<vmem>>, %arg6: memref<640xi32, #tpu.memory_space<vmem>>, %arg7: memref<640xi32, #tpu.memory_space<vmem>>, %arg8: memref<640xi32, #tpu.memory_space<vmem>>, %arg9: memref<64x640xf32, #tpu.memory_space<vmem>>, %arg10: memref<64x640xf32, #tpu.memory_space<vmem>>, %arg11: memref<160xi32, #tpu.memory_space<vmem>>, %arg12: memref<64x160xf32, #tpu.memory_space<vmem>>, %arg13: memref<!tpu.dma_semaphore, #tpu.memory_space<semaphore_mem>>, %arg14: memref<!tpu.dma_semaphore, #tpu.memory_space<semaphore_mem>>, %arg15: memref<!tpu.dma_semaphore, #tpu.memory_space<semaphore_mem>>, %arg16: memref<!tpu.dma_semaphore, #tpu.memory_space<semaphore_mem>>, %arg17: memref<!tpu.dma_semaphore, #tpu.memory_space<semaphore_mem>>, %arg18: memref<!tpu.dma_semaphore, #tpu.memory_space<semaphore_mem>>, %arg19: memref<!tpu.dma_semaphore, #tpu.memory_space<semaphore_mem>>, %arg20: memref<!tpu.dma_semaphore, #tpu.memory_space<semaphore_mem>>) attributes {dimension_semantics = [#tpu.dimension_semantics<core_parallel>, #tpu.dimension_semantics<subcore_parallel>], iteration_bounds = array<i64: 2, 16>, scalar_prefetch = 0 : i64, scratch_operands = 17 : i64, tpu.core_type = #tpu.core_type<sc_vector_subcore>, window_params = [{transform_indices = #map}, {transform_indices = #map1}]} {
    %mul3A = arith.constant 2 : i32
    %mul3A_0 = arith.muli %arg1, %mul3A : i32
    %add3A = arith.addi %mul3A_0, %arg0 : i32
    %iota3A = tpu.iota {dimensions = array<i32: 0>} : vector<16xi32>
    %broadcast_in_dim3A = arith.constant 1.000000e+00 : f32
    %broadcast_in_dim3A_1 = vector.broadcast %broadcast_in_dim3A : f32 to vector<16xf32>
    %broadcast_in_dim3A_2 = arith.constant 0.000000e+00 : f32
    %broadcast_in_dim3A_3 = vector.broadcast %broadcast_in_dim3A_2 : f32 to vector<16xf32>
    %add3A_4 = arith.constant 0 : i32
    %add3A_5 = arith.addi %add3A, %add3A_4 : i32
    %min3A = arith.constant 155 : i32
    %min3A_6 = arith.minsi %add3A_5, %min3A : i32
    %add3A_7 = arith.constant 32 : i32
    %add3A_8 = arith.addi %add3A, %add3A_7 : i32
    %min3A_9 = arith.constant 155 : i32
    %min3A_10 = arith.minsi %add3A_8, %min3A_9 : i32
    %add3A_11 = arith.constant 64 : i32
    %add3A_12 = arith.addi %add3A, %add3A_11 : i32
    %min3A_13 = arith.constant 155 : i32
    %min3A_14 = arith.minsi %add3A_12, %min3A_13 : i32
    %add3A_15 = arith.constant 96 : i32
    %add3A_16 = arith.addi %add3A, %add3A_15 : i32
    %min3A_17 = arith.constant 155 : i32
    %min3A_18 = arith.minsi %add3A_16, %min3A_17 : i32
    %add3A_19 = arith.constant 128 : i32
    %add3A_20 = arith.addi %add3A, %add3A_19 : i32
    %min3A_21 = arith.constant 155 : i32
    %min3A_22 = arith.minsi %add3A_20, %min3A_21 : i32
    %mul3A_23 = arith.constant 640 : i32
    %mul3A_24 = arith.muli %min3A_6, %mul3A_23 : i32
    %dma_start3A = tpu.memref_slice %arg2[%mul3A_24] : memref<100000xi32, #tpu.memory_space<hbm>> -> memref<640xi32, #tpu.memory_space<hbm>>
    %dma_start3A_25 = tpu.memref_slice %arg2[%mul3A_24] : memref<100000xi32, #tpu.memory_space<hbm>> -> memref<640xi32, #tpu.memory_space<hbm>>
    tpu.enqueue_dma source(%dma_start3A_25 : memref<640xi32, #tpu.memory_space<hbm>>) target(%arg4 : memref<640xi32, #tpu.memory_space<vmem>>) target_semaphore(%arg13 : memref<!tpu.dma_semaphore, #tpu.memory_space<semaphore_mem>>)
    %mul3A_26 = arith.constant 640 : i32
    %mul3A_27 = arith.muli %min3A_10, %mul3A_26 : i32
    %dma_start3A_28 = tpu.memref_slice %arg2[%mul3A_27] : memref<100000xi32, #tpu.memory_space<hbm>> -> memref<640xi32, #tpu.memory_space<hbm>>
    %dma_start3A_29 = tpu.memref_slice %arg2[%mul3A_27] : memref<100000xi32, #tpu.memory_space<hbm>> -> memref<640xi32, #tpu.memory_space<hbm>>
    tpu.enqueue_dma source(%dma_start3A_29 : memref<640xi32, #tpu.memory_space<hbm>>) target(%arg5 : memref<640xi32, #tpu.memory_space<vmem>>) target_semaphore(%arg14 : memref<!tpu.dma_semaphore, #tpu.memory_space<semaphore_mem>>)
    %mul3A_30 = arith.constant 640 : i32
    %mul3A_31 = arith.muli %min3A_14, %mul3A_30 : i32
    %dma_start3A_32 = tpu.memref_slice %arg2[%mul3A_31] : memref<100000xi32, #tpu.memory_space<hbm>> -> memref<640xi32, #tpu.memory_space<hbm>>
    %dma_start3A_33 = tpu.memref_slice %arg2[%mul3A_31] : memref<100000xi32, #tpu.memory_space<hbm>> -> memref<640xi32, #tpu.memory_space<hbm>>
    tpu.enqueue_dma source(%dma_start3A_33 : memref<640xi32, #tpu.memory_space<hbm>>) target(%arg6 : memref<640xi32, #tpu.memory_space<vmem>>) target_semaphore(%arg15 : memref<!tpu.dma_semaphore, #tpu.memory_space<semaphore_mem>>)
    %mul3A_34 = arith.constant 640 : i32
    %mul3A_35 = arith.muli %min3A_18, %mul3A_34 : i32
    %dma_start3A_36 = tpu.memref_slice %arg2[%mul3A_35] : memref<100000xi32, #tpu.memory_space<hbm>> -> memref<640xi32, #tpu.memory_space<hbm>>
    %dma_start3A_37 = tpu.memref_slice %arg2[%mul3A_35] : memref<100000xi32, #tpu.memory_space<hbm>> -> memref<640xi32, #tpu.memory_space<hbm>>
    tpu.enqueue_dma source(%dma_start3A_37 : memref<640xi32, #tpu.memory_space<hbm>>) target(%arg7 : memref<640xi32, #tpu.memory_space<vmem>>) target_semaphore(%arg16 : memref<!tpu.dma_semaphore, #tpu.memory_space<semaphore_mem>>)
    %mul3A_38 = arith.constant 640 : i32
    %mul3A_39 = arith.muli %min3A_22, %mul3A_38 : i32
    %dma_start3A_40 = tpu.memref_slice %arg2[%mul3A_39] : memref<100000xi32, #tpu.memory_space<hbm>> -> memref<640xi32, #tpu.memory_space<hbm>>
    %dma_start3A_41 = tpu.memref_slice %arg2[%mul3A_39] : memref<100000xi32, #tpu.memory_space<hbm>> -> memref<640xi32, #tpu.memory_space<hbm>>
    tpu.enqueue_dma source(%dma_start3A_41 : memref<640xi32, #tpu.memory_space<hbm>>) target(%arg8 : memref<640xi32, #tpu.memory_space<vmem>>) target_semaphore(%arg17 : memref<!tpu.dma_semaphore, #tpu.memory_space<semaphore_mem>>)
    %scan3A = arith.constant 0 : i32
    %scan3A_42 = arith.constant 64 : i32
    %scan3A_43 = arith.addi %scan3A, %scan3A_42 : i32
    %scan3A_44 = arith.constant 1 : i32
    scf.for %scan3A_157 = %scan3A to %scan3A_43 step %scan3A_44  : i32 {
      %mul3A_158 = arith.constant 0 : i32
      %mul3A_159 = vector.broadcast %mul3A_158 : i32 to vector<16xi32>
      %mul3A_160 = arith.muli %iota3A, %mul3A_159 : vector<16xi32>
      %add3A_161 = vector.broadcast %scan3A_157 : i32 to vector<16xi32>
      %add3A_162 = arith.addi %mul3A_160, %add3A_161 : vector<16xi32>
      %add3A_163 = arith.constant 0 : i32
      %add3A_164 = vector.broadcast %add3A_163 : i32 to vector<16xi32>
      %add3A_165 = arith.addi %iota3A, %add3A_164 : vector<16xi32>
      tpu.vector_store_idx %arg9[%add3A_162, %add3A_165], %broadcast_in_dim3A_3 : memref<64x640xf32, #tpu.memory_space<vmem>>[vector<16xi32>, vector<16xi32>], vector<16xf32>,
      %add3A_166 = arith.constant 16 : i32
      %add3A_167 = vector.broadcast %add3A_166 : i32 to vector<16xi32>
      %add3A_168 = arith.addi %iota3A, %add3A_167 : vector<16xi32>
      tpu.vector_store_idx %arg9[%add3A_162, %add3A_168], %broadcast_in_dim3A_3 : memref<64x640xf32, #tpu.memory_space<vmem>>[vector<16xi32>, vector<16xi32>], vector<16xf32>,
      %add3A_169 = arith.constant 32 : i32
      %add3A_170 = vector.broadcast %add3A_169 : i32 to vector<16xi32>
      %add3A_171 = arith.addi %iota3A, %add3A_170 : vector<16xi32>
      tpu.vector_store_idx %arg9[%add3A_162, %add3A_171], %broadcast_in_dim3A_3 : memref<64x640xf32, #tpu.memory_space<vmem>>[vector<16xi32>, vector<16xi32>], vector<16xf32>,
      %add3A_172 = arith.constant 48 : i32
      %add3A_173 = vector.broadcast %add3A_172 : i32 to vector<16xi32>
      %add3A_174 = arith.addi %iota3A, %add3A_173 : vector<16xi32>
      tpu.vector_store_idx %arg9[%add3A_162, %add3A_174], %broadcast_in_dim3A_3 : memref<64x640xf32, #tpu.memory_space<vmem>>[vector<16xi32>, vector<16xi32>], vector<16xf32>,
      %add3A_175 = arith.constant 64 : i32
      %add3A_176 = vector.broadcast %add3A_175 : i32 to vector<16xi32>
      %add3A_177 = arith.addi %iota3A, %add3A_176 : vector<16xi32>
      tpu.vector_store_idx %arg9[%add3A_162, %add3A_177], %broadcast_in_dim3A_3 : memref<64x640xf32, #tpu.memory_space<vmem>>[vector<16xi32>, vector<16xi32>], vector<16xf32>,
      %add3A_178 = arith.constant 80 : i32
      %add3A_179 = vector.broadcast %add3A_178 : i32 to vector<16xi32>
      %add3A_180 = arith.addi %iota3A, %add3A_179 : vector<16xi32>
      tpu.vector_store_idx %arg9[%add3A_162, %add3A_180], %broadcast_in_dim3A_3 : memref<64x640xf32, #tpu.memory_space<vmem>>[vector<16xi32>, vector<16xi32>], vector<16xf32>,
      %add3A_181 = arith.constant 96 : i32
      %add3A_182 = vector.broadcast %add3A_181 : i32 to vector<16xi32>
      %add3A_183 = arith.addi %iota3A, %add3A_182 : vector<16xi32>
      tpu.vector_store_idx %arg9[%add3A_162, %add3A_183], %broadcast_in_dim3A_3 : memref<64x640xf32, #tpu.memory_space<vmem>>[vector<16xi32>, vector<16xi32>], vector<16xf32>,
      %add3A_184 = arith.constant 112 : i32
      %add3A_185 = vector.broadcast %add3A_184 : i32 to vector<16xi32>
      %add3A_186 = arith.addi %iota3A, %add3A_185 : vector<16xi32>
      tpu.vector_store_idx %arg9[%add3A_162, %add3A_186], %broadcast_in_dim3A_3 : memref<64x640xf32, #tpu.memory_space<vmem>>[vector<16xi32>, vector<16xi32>], vector<16xf32>,
      %add3A_187 = arith.constant 128 : i32
      %add3A_188 = vector.broadcast %add3A_187 : i32 to vector<16xi32>
      %add3A_189 = arith.addi %iota3A, %add3A_188 : vector<16xi32>
      tpu.vector_store_idx %arg9[%add3A_162, %add3A_189], %broadcast_in_dim3A_3 : memref<64x640xf32, #tpu.memory_space<vmem>>[vector<16xi32>, vector<16xi32>], vector<16xf32>,
      %add3A_190 = arith.constant 144 : i32
      %add3A_191 = vector.broadcast %add3A_190 : i32 to vector<16xi32>
      %add3A_192 = arith.addi %iota3A, %add3A_191 : vector<16xi32>
      tpu.vector_store_idx %arg9[%add3A_162, %add3A_192], %broadcast_in_dim3A_3 : memref<64x640xf32, #tpu.memory_space<vmem>>[vector<16xi32>, vector<16xi32>], vector<16xf32>,
      %add3A_193 = arith.constant 160 : i32
      %add3A_194 = vector.broadcast %add3A_193 : i32 to vector<16xi32>
      %add3A_195 = arith.addi %iota3A, %add3A_194 : vector<16xi32>
      tpu.vector_store_idx %arg9[%add3A_162, %add3A_195], %broadcast_in_dim3A_3 : memref<64x640xf32, #tpu.memory_space<vmem>>[vector<16xi32>, vector<16xi32>], vector<16xf32>,
      %add3A_196 = arith.constant 176 : i32
      %add3A_197 = vector.broadcast %add3A_196 : i32 to vector<16xi32>
      %add3A_198 = arith.addi %iota3A, %add3A_197 : vector<16xi32>
      tpu.vector_store_idx %arg9[%add3A_162, %add3A_198], %broadcast_in_dim3A_3 : memref<64x640xf32, #tpu.memory_space<vmem>>[vector<16xi32>, vector<16xi32>], vector<16xf32>,
      %add3A_199 = arith.constant 192 : i32
      %add3A_200 = vector.broadcast %add3A_199 : i32 to vector<16xi32>
      %add3A_201 = arith.addi %iota3A, %add3A_200 : vector<16xi32>
      tpu.vector_store_idx %arg9[%add3A_162, %add3A_201], %broadcast_in_dim3A_3 : memref<64x640xf32, #tpu.memory_space<vmem>>[vector<16xi32>, vector<16xi32>], vector<16xf32>,
      %add3A_202 = arith.constant 208 : i32
      %add3A_203 = vector.broadcast %add3A_202 : i32 to vector<16xi32>
      %add3A_204 = arith.addi %iota3A, %add3A_203 : vector<16xi32>
      tpu.vector_store_idx %arg9[%add3A_162, %add3A_204], %broadcast_in_dim3A_3 : memref<64x640xf32, #tpu.memory_space<vmem>>[vector<16xi32>, vector<16xi32>], vector<16xf32>,
      %add3A_205 = arith.constant 224 : i32
      %add3A_206 = vector.broadcast %add3A_205 : i32 to vector<16xi32>
      %add3A_207 = arith.addi %iota3A, %add3A_206 : vector<16xi32>
      tpu.vector_store_idx %arg9[%add3A_162, %add3A_207], %broadcast_in_dim3A_3 : memref<64x640xf32, #tpu.memory_space<vmem>>[vector<16xi32>, vector<16xi32>], vector<16xf32>,
      %add3A_208 = arith.constant 240 : i32
      %add3A_209 = vector.broadcast %add3A_208 : i32 to vector<16xi32>
      %add3A_210 = arith.addi %iota3A, %add3A_209 : vector<16xi32>
      tpu.vector_store_idx %arg9[%add3A_162, %add3A_210], %broadcast_in_dim3A_3 : memref<64x640xf32, #tpu.memory_space<vmem>>[vector<16xi32>, vector<16xi32>], vector<16xf32>,
      %add3A_211 = arith.constant 256 : i32
      %add3A_212 = vector.broadcast %add3A_211 : i32 to vector<16xi32>
      %add3A_213 = arith.addi %iota3A, %add3A_212 : vector<16xi32>
      tpu.vector_store_idx %arg9[%add3A_162, %add3A_213], %broadcast_in_dim3A_3 : memref<64x640xf32, #tpu.memory_space<vmem>>[vector<16xi32>, vector<16xi32>], vector<16xf32>,
      %add3A_214 = arith.constant 272 : i32
      %add3A_215 = vector.broadcast %add3A_214 : i32 to vector<16xi32>
      %add3A_216 = arith.addi %iota3A, %add3A_215 : vector<16xi32>
      tpu.vector_store_idx %arg9[%add3A_162, %add3A_216], %broadcast_in_dim3A_3 : memref<64x640xf32, #tpu.memory_space<vmem>>[vector<16xi32>, vector<16xi32>], vector<16xf32>,
      %add3A_217 = arith.constant 288 : i32
      %add3A_218 = vector.broadcast %add3A_217 : i32 to vector<16xi32>
      %add3A_219 = arith.addi %iota3A, %add3A_218 : vector<16xi32>
      tpu.vector_store_idx %arg9[%add3A_162, %add3A_219], %broadcast_in_dim3A_3 : memref<64x640xf32, #tpu.memory_space<vmem>>[vector<16xi32>, vector<16xi32>], vector<16xf32>,
      %add3A_220 = arith.constant 304 : i32
      %add3A_221 = vector.broadcast %add3A_220 : i32 to vector<16xi32>
      %add3A_222 = arith.addi %iota3A, %add3A_221 : vector<16xi32>
      tpu.vector_store_idx %arg9[%add3A_162, %add3A_222], %broadcast_in_dim3A_3 : memref<64x640xf32, #tpu.memory_space<vmem>>[vector<16xi32>, vector<16xi32>], vector<16xf32>,
      %add3A_223 = arith.constant 320 : i32
      %add3A_224 = vector.broadcast %add3A_223 : i32 to vector<16xi32>
      %add3A_225 = arith.addi %iota3A, %add3A_224 : vector<16xi32>
      tpu.vector_store_idx %arg9[%add3A_162, %add3A_225], %broadcast_in_dim3A_3 : memref<64x640xf32, #tpu.memory_space<vmem>>[vector<16xi32>, vector<16xi32>], vector<16xf32>,
      %add3A_226 = arith.constant 336 : i32
      %add3A_227 = vector.broadcast %add3A_226 : i32 to vector<16xi32>
      %add3A_228 = arith.addi %iota3A, %add3A_227 : vector<16xi32>
      tpu.vector_store_idx %arg9[%add3A_162, %add3A_228], %broadcast_in_dim3A_3 : memref<64x640xf32, #tpu.memory_space<vmem>>[vector<16xi32>, vector<16xi32>], vector<16xf32>,
      %add3A_229 = arith.constant 352 : i32
      %add3A_230 = vector.broadcast %add3A_229 : i32 to vector<16xi32>
      %add3A_231 = arith.addi %iota3A, %add3A_230 : vector<16xi32>
      tpu.vector_store_idx %arg9[%add3A_162, %add3A_231], %broadcast_in_dim3A_3 : memref<64x640xf32, #tpu.memory_space<vmem>>[vector<16xi32>, vector<16xi32>], vector<16xf32>,
      %add3A_232 = arith.constant 368 : i32
      %add3A_233 = vector.broadcast %add3A_232 : i32 to vector<16xi32>
      %add3A_234 = arith.addi %iota3A, %add3A_233 : vector<16xi32>
      tpu.vector_store_idx %arg9[%add3A_162, %add3A_234], %broadcast_in_dim3A_3 : memref<64x640xf32, #tpu.memory_space<vmem>>[vector<16xi32>, vector<16xi32>], vector<16xf32>,
      %add3A_235 = arith.constant 384 : i32
      %add3A_236 = vector.broadcast %add3A_235 : i32 to vector<16xi32>
      %add3A_237 = arith.addi %iota3A, %add3A_236 : vector<16xi32>
      tpu.vector_store_idx %arg9[%add3A_162, %add3A_237], %broadcast_in_dim3A_3 : memref<64x640xf32, #tpu.memory_space<vmem>>[vector<16xi32>, vector<16xi32>], vector<16xf32>,
      %add3A_238 = arith.constant 400 : i32
      %add3A_239 = vector.broadcast %add3A_238 : i32 to vector<16xi32>
      %add3A_240 = arith.addi %iota3A, %add3A_239 : vector<16xi32>
      tpu.vector_store_idx %arg9[%add3A_162, %add3A_240], %broadcast_in_dim3A_3 : memref<64x640xf32, #tpu.memory_space<vmem>>[vector<16xi32>, vector<16xi32>], vector<16xf32>,
      %add3A_241 = arith.constant 416 : i32
      %add3A_242 = vector.broadcast %add3A_241 : i32 to vector<16xi32>
      %add3A_243 = arith.addi %iota3A, %add3A_242 : vector<16xi32>
      tpu.vector_store_idx %arg9[%add3A_162, %add3A_243], %broadcast_in_dim3A_3 : memref<64x640xf32, #tpu.memory_space<vmem>>[vector<16xi32>, vector<16xi32>], vector<16xf32>,
      %add3A_244 = arith.constant 432 : i32
      %add3A_245 = vector.broadcast %add3A_244 : i32 to vector<16xi32>
      %add3A_246 = arith.addi %iota3A, %add3A_245 : vector<16xi32>
      tpu.vector_store_idx %arg9[%add3A_162, %add3A_246], %broadcast_in_dim3A_3 : memref<64x640xf32, #tpu.memory_space<vmem>>[vector<16xi32>, vector<16xi32>], vector<16xf32>,
      %add3A_247 = arith.constant 448 : i32
      %add3A_248 = vector.broadcast %add3A_247 : i32 to vector<16xi32>
      %add3A_249 = arith.addi %iota3A, %add3A_248 : vector<16xi32>
      tpu.vector_store_idx %arg9[%add3A_162, %add3A_249], %broadcast_in_dim3A_3 : memref<64x640xf32, #tpu.memory_space<vmem>>[vector<16xi32>, vector<16xi32>], vector<16xf32>,
      %add3A_250 = arith.constant 464 : i32
      %add3A_251 = vector.broadcast %add3A_250 : i32 to vector<16xi32>
      %add3A_252 = arith.addi %iota3A, %add3A_251 : vector<16xi32>
      tpu.vector_store_idx %arg9[%add3A_162, %add3A_252], %broadcast_in_dim3A_3 : memref<64x640xf32, #tpu.memory_space<vmem>>[vector<16xi32>, vector<16xi32>], vector<16xf32>,
      %add3A_253 = arith.constant 480 : i32
      %add3A_254 = vector.broadcast %add3A_253 : i32 to vector<16xi32>
      %add3A_255 = arith.addi %iota3A, %add3A_254 : vector<16xi32>
      tpu.vector_store_idx %arg9[%add3A_162, %add3A_255], %broadcast_in_dim3A_3 : memref<64x640xf32, #tpu.memory_space<vmem>>[vector<16xi32>, vector<16xi32>], vector<16xf32>,
      %add3A_256 = arith.constant 496 : i32
      %add3A_257 = vector.broadcast %add3A_256 : i32 to vector<16xi32>
      %add3A_258 = arith.addi %iota3A, %add3A_257 : vector<16xi32>
      tpu.vector_store_idx %arg9[%add3A_162, %add3A_258], %broadcast_in_dim3A_3 : memref<64x640xf32, #tpu.memory_space<vmem>>[vector<16xi32>, vector<16xi32>], vector<16xf32>,
      %add3A_259 = arith.constant 512 : i32
      %add3A_260 = vector.broadcast %add3A_259 : i32 to vector<16xi32>
      %add3A_261 = arith.addi %iota3A, %add3A_260 : vector<16xi32>
      tpu.vector_store_idx %arg9[%add3A_162, %add3A_261], %broadcast_in_dim3A_3 : memref<64x640xf32, #tpu.memory_space<vmem>>[vector<16xi32>, vector<16xi32>], vector<16xf32>,
      %add3A_262 = arith.constant 528 : i32
      %add3A_263 = vector.broadcast %add3A_262 : i32 to vector<16xi32>
      %add3A_264 = arith.addi %iota3A, %add3A_263 : vector<16xi32>
      tpu.vector_store_idx %arg9[%add3A_162, %add3A_264], %broadcast_in_dim3A_3 : memref<64x640xf32, #tpu.memory_space<vmem>>[vector<16xi32>, vector<16xi32>], vector<16xf32>,
      %add3A_265 = arith.constant 544 : i32
      %add3A_266 = vector.broadcast %add3A_265 : i32 to vector<16xi32>
      %add3A_267 = arith.addi %iota3A, %add3A_266 : vector<16xi32>
      tpu.vector_store_idx %arg9[%add3A_162, %add3A_267], %broadcast_in_dim3A_3 : memref<64x640xf32, #tpu.memory_space<vmem>>[vector<16xi32>, vector<16xi32>], vector<16xf32>,
      %add3A_268 = arith.constant 560 : i32
      %add3A_269 = vector.broadcast %add3A_268 : i32 to vector<16xi32>
      %add3A_270 = arith.addi %iota3A, %add3A_269 : vector<16xi32>
      tpu.vector_store_idx %arg9[%add3A_162, %add3A_270], %broadcast_in_dim3A_3 : memref<64x640xf32, #tpu.memory_space<vmem>>[vector<16xi32>, vector<16xi32>], vector<16xf32>,
      %add3A_271 = arith.constant 576 : i32
      %add3A_272 = vector.broadcast %add3A_271 : i32 to vector<16xi32>
      %add3A_273 = arith.addi %iota3A, %add3A_272 : vector<16xi32>
      tpu.vector_store_idx %arg9[%add3A_162, %add3A_273], %broadcast_in_dim3A_3 : memref<64x640xf32, #tpu.memory_space<vmem>>[vector<16xi32>, vector<16xi32>], vector<16xf32>,
      %add3A_274 = arith.constant 592 : i32
      %add3A_275 = vector.broadcast %add3A_274 : i32 to vector<16xi32>
      %add3A_276 = arith.addi %iota3A, %add3A_275 : vector<16xi32>
      tpu.vector_store_idx %arg9[%add3A_162, %add3A_276], %broadcast_in_dim3A_3 : memref<64x640xf32, #tpu.memory_space<vmem>>[vector<16xi32>, vector<16xi32>], vector<16xf32>,
      %add3A_277 = arith.constant 608 : i32
      %add3A_278 = vector.broadcast %add3A_277 : i32 to vector<16xi32>
      %add3A_279 = arith.addi %iota3A, %add3A_278 : vector<16xi32>
      tpu.vector_store_idx %arg9[%add3A_162, %add3A_279], %broadcast_in_dim3A_3 : memref<64x640xf32, #tpu.memory_space<vmem>>[vector<16xi32>, vector<16xi32>], vector<16xf32>,
      %add3A_280 = arith.constant 624 : i32
      %add3A_281 = vector.broadcast %add3A_280 : i32 to vector<16xi32>
      %add3A_282 = arith.addi %iota3A, %add3A_281 : vector<16xi32>
      tpu.vector_store_idx %arg9[%add3A_162, %add3A_282], %broadcast_in_dim3A_3 : memref<64x640xf32, #tpu.memory_space<vmem>>[vector<16xi32>, vector<16xi32>], vector<16xf32>,
    }
    %scan3A_45 = arith.constant 64 : i32
    %eq3A = arith.constant 31 : i32
    %eq3A_46 = arith.cmpi eq, %add3A, %eq3A : i32
    %convert_element_type3A = arith.extui %eq3A_46 : i1 to i32
    %cond3A = arith.constant 0 : i32
    %cond3A_47 = arith.cmpi ne, %convert_element_type3A, %cond3A : i32
    scf.if %cond3A_47 {
      "tpu.region"() ({
        %run_scoped3A = tpu.sem_alloc : memref<!tpu.dma_semaphore, #tpu.memory_space<semaphore_mem>>
        %dma_start3A_173 = arith.constant 99840 : i32
        %dma_start3A_174 = tpu.memref_slice %arg2[%dma_start3A_173] : memref<100000xi32, #tpu.memory_space<hbm>> -> memref<160xi32, #tpu.memory_space<hbm>>
        %dma_start3A_175 = arith.constant 99840 : i32
        %dma_start3A_176 = tpu.memref_slice %arg2[%dma_start3A_175] : memref<100000xi32, #tpu.memory_space<hbm>> -> memref<160xi32, #tpu.memory_space<hbm>>
        tpu.enqueue_dma source(%dma_start3A_176 : memref<160xi32, #tpu.memory_space<hbm>>) target(%arg11 : memref<160xi32, #tpu.memory_space<vmem>>) target_semaphore(%run_scoped3A : memref<!tpu.dma_semaphore, #tpu.memory_space<semaphore_mem>>)
        %dma_wait3A_177 = arith.constant 99840 : i32
        %dma_wait3A_178 = tpu.memref_slice %arg2[%dma_wait3A_177] : memref<100000xi32, #tpu.memory_space<hbm>> -> memref<160xi32, #tpu.memory_space<hbm>>
        %dma_wait3A_179 = arith.constant 99840 : i32
        %dma_wait3A_180 = tpu.memref_slice %arg2[%dma_wait3A_179] : memref<100000xi32, #tpu.memory_space<hbm>> -> memref<160xi32, #tpu.memory_space<hbm>>
        tpu.wait_dma2 semaphore(%run_scoped3A : memref<!tpu.dma_semaphore, #tpu.memory_space<semaphore_mem>>) src(%dma_wait3A_180 : memref<160xi32, #tpu.memory_space<hbm>>) dst(%arg11 : memref<160xi32, #tpu.memory_space<vmem>>)
        tpu.yield
      }) : () -> ()
      %scan3A_157 = arith.constant 0 : i32
      %scan3A_158 = arith.constant 64 : i32
      %scan3A_159 = arith.addi %scan3A_157, %scan3A_158 : i32
      %scan3A_160 = arith.constant 1 : i32
      scf.for %scan3A_173 = %scan3A_157 to %scan3A_159 step %scan3A_160  : i32 {
        %mul3A_174 = arith.constant 0 : i32
        %mul3A_175 = vector.broadcast %mul3A_174 : i32 to vector<16xi32>
        %mul3A_176 = arith.muli %iota3A, %mul3A_175 : vector<16xi32>
        %add3A_177 = vector.broadcast %scan3A_173 : i32 to vector<16xi32>
        %add3A_178 = arith.addi %mul3A_176, %add3A_177 : vector<16xi32>
        %add3A_179 = arith.constant 0 : i32
        %add3A_180 = vector.broadcast %add3A_179 : i32 to vector<16xi32>
        %add3A_181 = arith.addi %iota3A, %add3A_180 : vector<16xi32>
        tpu.vector_store_idx %arg12[%add3A_178, %add3A_181], %broadcast_in_dim3A_3 : memref<64x160xf32, #tpu.memory_space<vmem>>[vector<16xi32>, vector<16xi32>], vector<16xf32>,
        %add3A_182 = arith.constant 16 : i32
        %add3A_183 = vector.broadcast %add3A_182 : i32 to vector<16xi32>
        %add3A_184 = arith.addi %iota3A, %add3A_183 : vector<16xi32>
        tpu.vector_store_idx %arg12[%add3A_178, %add3A_184], %broadcast_in_dim3A_3 : memref<64x160xf32, #tpu.memory_space<vmem>>[vector<16xi32>, vector<16xi32>], vector<16xf32>,
        %add3A_185 = arith.constant 32 : i32
        %add3A_186 = vector.broadcast %add3A_185 : i32 to vector<16xi32>
        %add3A_187 = arith.addi %iota3A, %add3A_186 : vector<16xi32>
        tpu.vector_store_idx %arg12[%add3A_178, %add3A_187], %broadcast_in_dim3A_3 : memref<64x160xf32, #tpu.memory_space<vmem>>[vector<16xi32>, vector<16xi32>], vector<16xf32>,
        %add3A_188 = arith.constant 48 : i32
        %add3A_189 = vector.broadcast %add3A_188 : i32 to vector<16xi32>
        %add3A_190 = arith.addi %iota3A, %add3A_189 : vector<16xi32>
        tpu.vector_store_idx %arg12[%add3A_178, %add3A_190], %broadcast_in_dim3A_3 : memref<64x160xf32, #tpu.memory_space<vmem>>[vector<16xi32>, vector<16xi32>], vector<16xf32>,
        %add3A_191 = arith.constant 64 : i32
        %add3A_192 = vector.broadcast %add3A_191 : i32 to vector<16xi32>
        %add3A_193 = arith.addi %iota3A, %add3A_192 : vector<16xi32>
        tpu.vector_store_idx %arg12[%add3A_178, %add3A_193], %broadcast_in_dim3A_3 : memref<64x160xf32, #tpu.memory_space<vmem>>[vector<16xi32>, vector<16xi32>], vector<16xf32>,
        %add3A_194 = arith.constant 80 : i32
        %add3A_195 = vector.broadcast %add3A_194 : i32 to vector<16xi32>
        %add3A_196 = arith.addi %iota3A, %add3A_195 : vector<16xi32>
        tpu.vector_store_idx %arg12[%add3A_178, %add3A_196], %broadcast_in_dim3A_3 : memref<64x160xf32, #tpu.memory_space<vmem>>[vector<16xi32>, vector<16xi32>], vector<16xf32>,
        %add3A_197 = arith.constant 96 : i32
        %add3A_198 = vector.broadcast %add3A_197 : i32 to vector<16xi32>
        %add3A_199 = arith.addi %iota3A, %add3A_198 : vector<16xi32>
        tpu.vector_store_idx %arg12[%add3A_178, %add3A_199], %broadcast_in_dim3A_3 : memref<64x160xf32, #tpu.memory_space<vmem>>[vector<16xi32>, vector<16xi32>], vector<16xf32>,
        %add3A_200 = arith.constant 112 : i32
        %add3A_201 = vector.broadcast %add3A_200 : i32 to vector<16xi32>
        %add3A_202 = arith.addi %iota3A, %add3A_201 : vector<16xi32>
        tpu.vector_store_idx %arg12[%add3A_178, %add3A_202], %broadcast_in_dim3A_3 : memref<64x160xf32, #tpu.memory_space<vmem>>[vector<16xi32>, vector<16xi32>], vector<16xf32>,
        %add3A_203 = arith.constant 128 : i32
        %add3A_204 = vector.broadcast %add3A_203 : i32 to vector<16xi32>
        %add3A_205 = arith.addi %iota3A, %add3A_204 : vector<16xi32>
        tpu.vector_store_idx %arg12[%add3A_178, %add3A_205], %broadcast_in_dim3A_3 : memref<64x160xf32, #tpu.memory_space<vmem>>[vector<16xi32>, vector<16xi32>], vector<16xf32>,
        %add3A_206 = arith.constant 144 : i32
        %add3A_207 = vector.broadcast %add3A_206 : i32 to vector<16xi32>
        %add3A_208 = arith.addi %iota3A, %add3A_207 : vector<16xi32>
        tpu.vector_store_idx %arg12[%add3A_178, %add3A_208], %broadcast_in_dim3A_3 : memref<64x160xf32, #tpu.memory_space<vmem>>[vector<16xi32>, vector<16xi32>], vector<16xf32>,
      }
      %scan3A_161 = arith.constant 64 : i32
      %scan3A_162 = arith.constant 0 : i32
      %scan3A_163 = arith.constant 10 : i32
      %scan3A_164 = arith.addi %scan3A_162, %scan3A_163 : i32
      %scan3A_165 = arith.constant 1 : i32
      scf.for %scan3A_173 = %scan3A_162 to %scan3A_164 step %scan3A_165  : i32 {
        %mul3A_174 = arith.constant 16 : i32
        %mul3A_175 = arith.muli %scan3A_173, %mul3A_174 : i32
        %get3A = arith.index_cast %mul3A_175 : i32 to index
        %get3A_176 = tpu.vector_load %arg11[%get3A] {strides = array<i32>} : memref<160xi32, #tpu.memory_space<vmem>>, vector<16xi32>,
        %mul3A_177 = arith.constant 16 : i32
        %mul3A_178 = arith.muli %scan3A_173, %mul3A_177 : i32
        %add3A_179 = vector.broadcast %mul3A_178 : i32 to vector<16xi32>
        %add3A_180 = arith.addi %add3A_179, %iota3A : vector<16xi32>
        tpu.vector_store_idx %arg12[%get3A_176, %add3A_180], %broadcast_in_dim3A_1 : memref<64x160xf32, #tpu.memory_space<vmem>>[vector<16xi32>, vector<16xi32>], vector<16xf32>,
      }
      %scan3A_166 = arith.constant 10 : i32
      %dma_start3A_167 = arith.constant 0 : i32
      %dma_start3A_168 = arith.constant 99840 : i32
      %dma_start3A_169 = tpu.memref_slice %arg3[%dma_start3A_167, %dma_start3A_168] : memref<64x100000xf32, #tpu.memory_space<hbm>> -> memref<64x160xf32, #tpu.memory_space<hbm>>
      %dma_start3A_170 = arith.constant 0 : i32
      %dma_start3A_171 = arith.constant 99840 : i32
      %dma_start3A_172 = tpu.memref_slice %arg3[%dma_start3A_170, %dma_start3A_171] : memref<64x100000xf32, #tpu.memory_space<hbm>> -> memref<64x160xf32, #tpu.memory_space<hbm>>
      tpu.enqueue_dma source(%arg12 : memref<64x160xf32, #tpu.memory_space<vmem>>) target(%dma_start3A_172 : memref<64x160xf32, #tpu.memory_space<hbm>>) target_semaphore(%arg20 : memref<!tpu.dma_semaphore, #tpu.memory_space<semaphore_mem>>)
    } else {
    }
    %dma_wait3A = tpu.memref_slice %arg2[%mul3A_24] : memref<100000xi32, #tpu.memory_space<hbm>> -> memref<640xi32, #tpu.memory_space<hbm>>
    %dma_wait3A_48 = tpu.memref_slice %arg2[%mul3A_24] : memref<100000xi32, #tpu.memory_space<hbm>> -> memref<640xi32, #tpu.memory_space<hbm>>
    tpu.wait_dma2 semaphore(%arg13 : memref<!tpu.dma_semaphore, #tpu.memory_space<semaphore_mem>>) src(%dma_wait3A_48 : memref<640xi32, #tpu.memory_space<hbm>>) dst(%arg4 : memref<640xi32, #tpu.memory_space<vmem>>)
    %scan3A_49 = arith.constant 0 : i32
    %scan3A_50 = arith.constant 40 : i32
    %scan3A_51 = arith.addi %scan3A_49, %scan3A_50 : i32
    %scan3A_52 = arith.constant 1 : i32
    scf.for %scan3A_157 = %scan3A_49 to %scan3A_51 step %scan3A_52  : i32 {
      %mul3A_158 = arith.constant 16 : i32
      %mul3A_159 = arith.muli %scan3A_157, %mul3A_158 : i32
      %get3A = arith.index_cast %mul3A_159 : i32 to index
      %get3A_160 = tpu.vector_load %arg4[%get3A] {strides = array<i32>} : memref<640xi32, #tpu.memory_space<vmem>>, vector<16xi32>,
      %mul3A_161 = arith.constant 16 : i32
      %mul3A_162 = arith.muli %scan3A_157, %mul3A_161 : i32
      %add3A_163 = vector.broadcast %mul3A_162 : i32 to vector<16xi32>
      %add3A_164 = arith.addi %add3A_163, %iota3A : vector<16xi32>
      tpu.vector_store_idx %arg9[%get3A_160, %add3A_164], %broadcast_in_dim3A_1 : memref<64x640xf32, #tpu.memory_space<vmem>>[vector<16xi32>, vector<16xi32>], vector<16xf32>,
    }
    %scan3A_53 = arith.constant 40 : i32
    %mul3A_54 = arith.constant 640 : i32
    %mul3A_55 = arith.muli %min3A_6, %mul3A_54 : i32
    %dma_start3A_56 = arith.constant 0 : i32
    %dma_start3A_57 = tpu.memref_slice %arg3[%dma_start3A_56, %mul3A_55] : memref<64x100000xf32, #tpu.memory_space<hbm>> -> memref<64x640xf32, #tpu.memory_space<hbm>>
    %dma_start3A_58 = arith.constant 0 : i32
    %dma_start3A_59 = tpu.memref_slice %arg3[%dma_start3A_58, %mul3A_55] : memref<64x100000xf32, #tpu.memory_space<hbm>> -> memref<64x640xf32, #tpu.memory_space<hbm>>
    tpu.enqueue_dma source(%arg9 : memref<64x640xf32, #tpu.memory_space<vmem>>) target(%dma_start3A_59 : memref<64x640xf32, #tpu.memory_space<hbm>>) target_semaphore(%arg18 : memref<!tpu.dma_semaphore, #tpu.memory_space<semaphore_mem>>)
    %scan3A_60 = arith.constant 0 : i32
    %scan3A_61 = arith.constant 64 : i32
    %scan3A_62 = arith.addi %scan3A_60, %scan3A_61 : i32
    %scan3A_63 = arith.constant 1 : i32
    scf.for %scan3A_157 = %scan3A_60 to %scan3A_62 step %scan3A_63  : i32 {
      %mul3A_158 = arith.constant 0 : i32
      %mul3A_159 = vector.broadcast %mul3A_158 : i32 to vector<16xi32>
      %mul3A_160 = arith.muli %iota3A, %mul3A_159 : vector<16xi32>
      %add3A_161 = vector.broadcast %scan3A_157 : i32 to vector<16xi32>
      %add3A_162 = arith.addi %mul3A_160, %add3A_161 : vector<16xi32>
      %add3A_163 = arith.constant 0 : i32
      %add3A_164 = vector.broadcast %add3A_163 : i32 to vector<16xi32>
      %add3A_165 = arith.addi %iota3A, %add3A_164 : vector<16xi32>
      tpu.vector_store_idx %arg10[%add3A_162, %add3A_165], %broadcast_in_dim3A_3 : memref<64x640xf32, #tpu.memory_space<vmem>>[vector<16xi32>, vector<16xi32>], vector<16xf32>,
      %add3A_166 = arith.constant 16 : i32
      %add3A_167 = vector.broadcast %add3A_166 : i32 to vector<16xi32>
      %add3A_168 = arith.addi %iota3A, %add3A_167 : vector<16xi32>
      tpu.vector_store_idx %arg10[%add3A_162, %add3A_168], %broadcast_in_dim3A_3 : memref<64x640xf32, #tpu.memory_space<vmem>>[vector<16xi32>, vector<16xi32>], vector<16xf32>,
      %add3A_169 = arith.constant 32 : i32
      %add3A_170 = vector.broadcast %add3A_169 : i32 to vector<16xi32>
      %add3A_171 = arith.addi %iota3A, %add3A_170 : vector<16xi32>
      tpu.vector_store_idx %arg10[%add3A_162, %add3A_171], %broadcast_in_dim3A_3 : memref<64x640xf32, #tpu.memory_space<vmem>>[vector<16xi32>, vector<16xi32>], vector<16xf32>,
      %add3A_172 = arith.constant 48 : i32
      %add3A_173 = vector.broadcast %add3A_172 : i32 to vector<16xi32>
      %add3A_174 = arith.addi %iota3A, %add3A_173 : vector<16xi32>
      tpu.vector_store_idx %arg10[%add3A_162, %add3A_174], %broadcast_in_dim3A_3 : memref<64x640xf32, #tpu.memory_space<vmem>>[vector<16xi32>, vector<16xi32>], vector<16xf32>,
      %add3A_175 = arith.constant 64 : i32
      %add3A_176 = vector.broadcast %add3A_175 : i32 to vector<16xi32>
      %add3A_177 = arith.addi %iota3A, %add3A_176 : vector<16xi32>
      tpu.vector_store_idx %arg10[%add3A_162, %add3A_177], %broadcast_in_dim3A_3 : memref<64x640xf32, #tpu.memory_space<vmem>>[vector<16xi32>, vector<16xi32>], vector<16xf32>,
      %add3A_178 = arith.constant 80 : i32
      %add3A_179 = vector.broadcast %add3A_178 : i32 to vector<16xi32>
      %add3A_180 = arith.addi %iota3A, %add3A_179 : vector<16xi32>
      tpu.vector_store_idx %arg10[%add3A_162, %add3A_180], %broadcast_in_dim3A_3 : memref<64x640xf32, #tpu.memory_space<vmem>>[vector<16xi32>, vector<16xi32>], vector<16xf32>,
      %add3A_181 = arith.constant 96 : i32
      %add3A_182 = vector.broadcast %add3A_181 : i32 to vector<16xi32>
      %add3A_183 = arith.addi %iota3A, %add3A_182 : vector<16xi32>
      tpu.vector_store_idx %arg10[%add3A_162, %add3A_183], %broadcast_in_dim3A_3 : memref<64x640xf32, #tpu.memory_space<vmem>>[vector<16xi32>, vector<16xi32>], vector<16xf32>,
      %add3A_184 = arith.constant 112 : i32
      %add3A_185 = vector.broadcast %add3A_184 : i32 to vector<16xi32>
      %add3A_186 = arith.addi %iota3A, %add3A_185 : vector<16xi32>
      tpu.vector_store_idx %arg10[%add3A_162, %add3A_186], %broadcast_in_dim3A_3 : memref<64x640xf32, #tpu.memory_space<vmem>>[vector<16xi32>, vector<16xi32>], vector<16xf32>,
      %add3A_187 = arith.constant 128 : i32
      %add3A_188 = vector.broadcast %add3A_187 : i32 to vector<16xi32>
      %add3A_189 = arith.addi %iota3A, %add3A_188 : vector<16xi32>
      tpu.vector_store_idx %arg10[%add3A_162, %add3A_189], %broadcast_in_dim3A_3 : memref<64x640xf32, #tpu.memory_space<vmem>>[vector<16xi32>, vector<16xi32>], vector<16xf32>,
      %add3A_190 = arith.constant 144 : i32
      %add3A_191 = vector.broadcast %add3A_190 : i32 to vector<16xi32>
      %add3A_192 = arith.addi %iota3A, %add3A_191 : vector<16xi32>
      tpu.vector_store_idx %arg10[%add3A_162, %add3A_192], %broadcast_in_dim3A_3 : memref<64x640xf32, #tpu.memory_space<vmem>>[vector<16xi32>, vector<16xi32>], vector<16xf32>,
      %add3A_193 = arith.constant 160 : i32
      %add3A_194 = vector.broadcast %add3A_193 : i32 to vector<16xi32>
      %add3A_195 = arith.addi %iota3A, %add3A_194 : vector<16xi32>
      tpu.vector_store_idx %arg10[%add3A_162, %add3A_195], %broadcast_in_dim3A_3 : memref<64x640xf32, #tpu.memory_space<vmem>>[vector<16xi32>, vector<16xi32>], vector<16xf32>,
      %add3A_196 = arith.constant 176 : i32
      %add3A_197 = vector.broadcast %add3A_196 : i32 to vector<16xi32>
      %add3A_198 = arith.addi %iota3A, %add3A_197 : vector<16xi32>
      tpu.vector_store_idx %arg10[%add3A_162, %add3A_198], %broadcast_in_dim3A_3 : memref<64x640xf32, #tpu.memory_space<vmem>>[vector<16xi32>, vector<16xi32>], vector<16xf32>,
      %add3A_199 = arith.constant 192 : i32
      %add3A_200 = vector.broadcast %add3A_199 : i32 to vector<16xi32>
      %add3A_201 = arith.addi %iota3A, %add3A_200 : vector<16xi32>
      tpu.vector_store_idx %arg10[%add3A_162, %add3A_201], %broadcast_in_dim3A_3 : memref<64x640xf32, #tpu.memory_space<vmem>>[vector<16xi32>, vector<16xi32>], vector<16xf32>,
      %add3A_202 = arith.constant 208 : i32
      %add3A_203 = vector.broadcast %add3A_202 : i32 to vector<16xi32>
      %add3A_204 = arith.addi %iota3A, %add3A_203 : vector<16xi32>
      tpu.vector_store_idx %arg10[%add3A_162, %add3A_204], %broadcast_in_dim3A_3 : memref<64x640xf32, #tpu.memory_space<vmem>>[vector<16xi32>, vector<16xi32>], vector<16xf32>,
      %add3A_205 = arith.constant 224 : i32
      %add3A_206 = vector.broadcast %add3A_205 : i32 to vector<16xi32>
      %add3A_207 = arith.addi %iota3A, %add3A_206 : vector<16xi32>
      tpu.vector_store_idx %arg10[%add3A_162, %add3A_207], %broadcast_in_dim3A_3 : memref<64x640xf32, #tpu.memory_space<vmem>>[vector<16xi32>, vector<16xi32>], vector<16xf32>,
      %add3A_208 = arith.constant 240 : i32
      %add3A_209 = vector.broadcast %add3A_208 : i32 to vector<16xi32>
      %add3A_210 = arith.addi %iota3A, %add3A_209 : vector<16xi32>
      tpu.vector_store_idx %arg10[%add3A_162, %add3A_210], %broadcast_in_dim3A_3 : memref<64x640xf32, #tpu.memory_space<vmem>>[vector<16xi32>, vector<16xi32>], vector<16xf32>,
      %add3A_211 = arith.constant 256 : i32
      %add3A_212 = vector.broadcast %add3A_211 : i32 to vector<16xi32>
      %add3A_213 = arith.addi %iota3A, %add3A_212 : vector<16xi32>
      tpu.vector_store_idx %arg10[%add3A_162, %add3A_213], %broadcast_in_dim3A_3 : memref<64x640xf32, #tpu.memory_space<vmem>>[vector<16xi32>, vector<16xi32>], vector<16xf32>,
      %add3A_214 = arith.constant 272 : i32
      %add3A_215 = vector.broadcast %add3A_214 : i32 to vector<16xi32>
      %add3A_216 = arith.addi %iota3A, %add3A_215 : vector<16xi32>
      tpu.vector_store_idx %arg10[%add3A_162, %add3A_216], %broadcast_in_dim3A_3 : memref<64x640xf32, #tpu.memory_space<vmem>>[vector<16xi32>, vector<16xi32>], vector<16xf32>,
      %add3A_217 = arith.constant 288 : i32
      %add3A_218 = vector.broadcast %add3A_217 : i32 to vector<16xi32>
      %add3A_219 = arith.addi %iota3A, %add3A_218 : vector<16xi32>
      tpu.vector_store_idx %arg10[%add3A_162, %add3A_219], %broadcast_in_dim3A_3 : memref<64x640xf32, #tpu.memory_space<vmem>>[vector<16xi32>, vector<16xi32>], vector<16xf32>,
      %add3A_220 = arith.constant 304 : i32
      %add3A_221 = vector.broadcast %add3A_220 : i32 to vector<16xi32>
      %add3A_222 = arith.addi %iota3A, %add3A_221 : vector<16xi32>
      tpu.vector_store_idx %arg10[%add3A_162, %add3A_222], %broadcast_in_dim3A_3 : memref<64x640xf32, #tpu.memory_space<vmem>>[vector<16xi32>, vector<16xi32>], vector<16xf32>,
      %add3A_223 = arith.constant 320 : i32
      %add3A_224 = vector.broadcast %add3A_223 : i32 to vector<16xi32>
      %add3A_225 = arith.addi %iota3A, %add3A_224 : vector<16xi32>
      tpu.vector_store_idx %arg10[%add3A_162, %add3A_225], %broadcast_in_dim3A_3 : memref<64x640xf32, #tpu.memory_space<vmem>>[vector<16xi32>, vector<16xi32>], vector<16xf32>,
      %add3A_226 = arith.constant 336 : i32
      %add3A_227 = vector.broadcast %add3A_226 : i32 to vector<16xi32>
      %add3A_228 = arith.addi %iota3A, %add3A_227 : vector<16xi32>
      tpu.vector_store_idx %arg10[%add3A_162, %add3A_228], %broadcast_in_dim3A_3 : memref<64x640xf32, #tpu.memory_space<vmem>>[vector<16xi32>, vector<16xi32>], vector<16xf32>,
      %add3A_229 = arith.constant 352 : i32
      %add3A_230 = vector.broadcast %add3A_229 : i32 to vector<16xi32>
      %add3A_231 = arith.addi %iota3A, %add3A_230 : vector<16xi32>
      tpu.vector_store_idx %arg10[%add3A_162, %add3A_231], %broadcast_in_dim3A_3 : memref<64x640xf32, #tpu.memory_space<vmem>>[vector<16xi32>, vector<16xi32>], vector<16xf32>,
      %add3A_232 = arith.constant 368 : i32
      %add3A_233 = vector.broadcast %add3A_232 : i32 to vector<16xi32>
      %add3A_234 = arith.addi %iota3A, %add3A_233 : vector<16xi32>
      tpu.vector_store_idx %arg10[%add3A_162, %add3A_234], %broadcast_in_dim3A_3 : memref<64x640xf32, #tpu.memory_space<vmem>>[vector<16xi32>, vector<16xi32>], vector<16xf32>,
      %add3A_235 = arith.constant 384 : i32
      %add3A_236 = vector.broadcast %add3A_235 : i32 to vector<16xi32>
      %add3A_237 = arith.addi %iota3A, %add3A_236 : vector<16xi32>
      tpu.vector_store_idx %arg10[%add3A_162, %add3A_237], %broadcast_in_dim3A_3 : memref<64x640xf32, #tpu.memory_space<vmem>>[vector<16xi32>, vector<16xi32>], vector<16xf32>,
      %add3A_238 = arith.constant 400 : i32
      %add3A_239 = vector.broadcast %add3A_238 : i32 to vector<16xi32>
      %add3A_240 = arith.addi %iota3A, %add3A_239 : vector<16xi32>
      tpu.vector_store_idx %arg10[%add3A_162, %add3A_240], %broadcast_in_dim3A_3 : memref<64x640xf32, #tpu.memory_space<vmem>>[vector<16xi32>, vector<16xi32>], vector<16xf32>,
      %add3A_241 = arith.constant 416 : i32
      %add3A_242 = vector.broadcast %add3A_241 : i32 to vector<16xi32>
      %add3A_243 = arith.addi %iota3A, %add3A_242 : vector<16xi32>
      tpu.vector_store_idx %arg10[%add3A_162, %add3A_243], %broadcast_in_dim3A_3 : memref<64x640xf32, #tpu.memory_space<vmem>>[vector<16xi32>, vector<16xi32>], vector<16xf32>,
      %add3A_244 = arith.constant 432 : i32
      %add3A_245 = vector.broadcast %add3A_244 : i32 to vector<16xi32>
      %add3A_246 = arith.addi %iota3A, %add3A_245 : vector<16xi32>
      tpu.vector_store_idx %arg10[%add3A_162, %add3A_246], %broadcast_in_dim3A_3 : memref<64x640xf32, #tpu.memory_space<vmem>>[vector<16xi32>, vector<16xi32>], vector<16xf32>,
      %add3A_247 = arith.constant 448 : i32
      %add3A_248 = vector.broadcast %add3A_247 : i32 to vector<16xi32>
      %add3A_249 = arith.addi %iota3A, %add3A_248 : vector<16xi32>
      tpu.vector_store_idx %arg10[%add3A_162, %add3A_249], %broadcast_in_dim3A_3 : memref<64x640xf32, #tpu.memory_space<vmem>>[vector<16xi32>, vector<16xi32>], vector<16xf32>,
      %add3A_250 = arith.constant 464 : i32
      %add3A_251 = vector.broadcast %add3A_250 : i32 to vector<16xi32>
      %add3A_252 = arith.addi %iota3A, %add3A_251 : vector<16xi32>
      tpu.vector_store_idx %arg10[%add3A_162, %add3A_252], %broadcast_in_dim3A_3 : memref<64x640xf32, #tpu.memory_space<vmem>>[vector<16xi32>, vector<16xi32>], vector<16xf32>,
      %add3A_253 = arith.constant 480 : i32
      %add3A_254 = vector.broadcast %add3A_253 : i32 to vector<16xi32>
      %add3A_255 = arith.addi %iota3A, %add3A_254 : vector<16xi32>
      tpu.vector_store_idx %arg10[%add3A_162, %add3A_255], %broadcast_in_dim3A_3 : memref<64x640xf32, #tpu.memory_space<vmem>>[vector<16xi32>, vector<16xi32>], vector<16xf32>,
      %add3A_256 = arith.constant 496 : i32
      %add3A_257 = vector.broadcast %add3A_256 : i32 to vector<16xi32>
      %add3A_258 = arith.addi %iota3A, %add3A_257 : vector<16xi32>
      tpu.vector_store_idx %arg10[%add3A_162, %add3A_258], %broadcast_in_dim3A_3 : memref<64x640xf32, #tpu.memory_space<vmem>>[vector<16xi32>, vector<16xi32>], vector<16xf32>,
      %add3A_259 = arith.constant 512 : i32
      %add3A_260 = vector.broadcast %add3A_259 : i32 to vector<16xi32>
      %add3A_261 = arith.addi %iota3A, %add3A_260 : vector<16xi32>
      tpu.vector_store_idx %arg10[%add3A_162, %add3A_261], %broadcast_in_dim3A_3 : memref<64x640xf32, #tpu.memory_space<vmem>>[vector<16xi32>, vector<16xi32>], vector<16xf32>,
      %add3A_262 = arith.constant 528 : i32
      %add3A_263 = vector.broadcast %add3A_262 : i32 to vector<16xi32>
      %add3A_264 = arith.addi %iota3A, %add3A_263 : vector<16xi32>
      tpu.vector_store_idx %arg10[%add3A_162, %add3A_264], %broadcast_in_dim3A_3 : memref<64x640xf32, #tpu.memory_space<vmem>>[vector<16xi32>, vector<16xi32>], vector<16xf32>,
      %add3A_265 = arith.constant 544 : i32
      %add3A_266 = vector.broadcast %add3A_265 : i32 to vector<16xi32>
      %add3A_267 = arith.addi %iota3A, %add3A_266 : vector<16xi32>
      tpu.vector_store_idx %arg10[%add3A_162, %add3A_267], %broadcast_in_dim3A_3 : memref<64x640xf32, #tpu.memory_space<vmem>>[vector<16xi32>, vector<16xi32>], vector<16xf32>,
      %add3A_268 = arith.constant 560 : i32
      %add3A_269 = vector.broadcast %add3A_268 : i32 to vector<16xi32>
      %add3A_270 = arith.addi %iota3A, %add3A_269 : vector<16xi32>
      tpu.vector_store_idx %arg10[%add3A_162, %add3A_270], %broadcast_in_dim3A_3 : memref<64x640xf32, #tpu.memory_space<vmem>>[vector<16xi32>, vector<16xi32>], vector<16xf32>,
      %add3A_271 = arith.constant 576 : i32
      %add3A_272 = vector.broadcast %add3A_271 : i32 to vector<16xi32>
      %add3A_273 = arith.addi %iota3A, %add3A_272 : vector<16xi32>
      tpu.vector_store_idx %arg10[%add3A_162, %add3A_273], %broadcast_in_dim3A_3 : memref<64x640xf32, #tpu.memory_space<vmem>>[vector<16xi32>, vector<16xi32>], vector<16xf32>,
      %add3A_274 = arith.constant 592 : i32
      %add3A_275 = vector.broadcast %add3A_274 : i32 to vector<16xi32>
      %add3A_276 = arith.addi %iota3A, %add3A_275 : vector<16xi32>
      tpu.vector_store_idx %arg10[%add3A_162, %add3A_276], %broadcast_in_dim3A_3 : memref<64x640xf32, #tpu.memory_space<vmem>>[vector<16xi32>, vector<16xi32>], vector<16xf32>,
      %add3A_277 = arith.constant 608 : i32
      %add3A_278 = vector.broadcast %add3A_277 : i32 to vector<16xi32>
      %add3A_279 = arith.addi %iota3A, %add3A_278 : vector<16xi32>
      tpu.vector_store_idx %arg10[%add3A_162, %add3A_279], %broadcast_in_dim3A_3 : memref<64x640xf32, #tpu.memory_space<vmem>>[vector<16xi32>, vector<16xi32>], vector<16xf32>,
      %add3A_280 = arith.constant 624 : i32
      %add3A_281 = vector.broadcast %add3A_280 : i32 to vector<16xi32>
      %add3A_282 = arith.addi %iota3A, %add3A_281 : vector<16xi32>
      tpu.vector_store_idx %arg10[%add3A_162, %add3A_282], %broadcast_in_dim3A_3 : memref<64x640xf32, #tpu.memory_space<vmem>>[vector<16xi32>, vector<16xi32>], vector<16xf32>,
    }
    %scan3A_64 = arith.constant 64 : i32
    %dma_wait3A_65 = tpu.memref_slice %arg2[%mul3A_27] : memref<100000xi32, #tpu.memory_space<hbm>> -> memref<640xi32, #tpu.memory_space<hbm>>
    %dma_wait3A_66 = tpu.memref_slice %arg2[%mul3A_27] : memref<100000xi32, #tpu.memory_space<hbm>> -> memref<640xi32, #tpu.memory_space<hbm>>
    tpu.wait_dma2 semaphore(%arg14 : memref<!tpu.dma_semaphore, #tpu.memory_space<semaphore_mem>>) src(%dma_wait3A_66 : memref<640xi32, #tpu.memory_space<hbm>>) dst(%arg5 : memref<640xi32, #tpu.memory_space<vmem>>)
    %scan3A_67 = arith.constant 0 : i32
    %scan3A_68 = arith.constant 40 : i32
    %scan3A_69 = arith.addi %scan3A_67, %scan3A_68 : i32
    %scan3A_70 = arith.constant 1 : i32
    scf.for %scan3A_157 = %scan3A_67 to %scan3A_69 step %scan3A_70  : i32 {
      %mul3A_158 = arith.constant 16 : i32
      %mul3A_159 = arith.muli %scan3A_157, %mul3A_158 : i32
      %get3A = arith.index_cast %mul3A_159 : i32 to index
      %get3A_160 = tpu.vector_load %arg5[%get3A] {strides = array<i32>} : memref<640xi32, #tpu.memory_space<vmem>>, vector<16xi32>,
      %mul3A_161 = arith.constant 16 : i32
      %mul3A_162 = arith.muli %scan3A_157, %mul3A_161 : i32
      %add3A_163 = vector.broadcast %mul3A_162 : i32 to vector<16xi32>
      %add3A_164 = arith.addi %add3A_163, %iota3A : vector<16xi32>
      tpu.vector_store_idx %arg10[%get3A_160, %add3A_164], %broadcast_in_dim3A_1 : memref<64x640xf32, #tpu.memory_space<vmem>>[vector<16xi32>, vector<16xi32>], vector<16xf32>,
    }
    %scan3A_71 = arith.constant 40 : i32
    %mul3A_72 = arith.constant 640 : i32
    %mul3A_73 = arith.muli %min3A_10, %mul3A_72 : i32
    %dma_start3A_74 = arith.constant 0 : i32
    %dma_start3A_75 = tpu.memref_slice %arg3[%dma_start3A_74, %mul3A_73] : memref<64x100000xf32, #tpu.memory_space<hbm>> -> memref<64x640xf32, #tpu.memory_space<hbm>>
    %dma_start3A_76 = arith.constant 0 : i32
    %dma_start3A_77 = tpu.memref_slice %arg3[%dma_start3A_76, %mul3A_73] : memref<64x100000xf32, #tpu.memory_space<hbm>> -> memref<64x640xf32, #tpu.memory_space<hbm>>
    tpu.enqueue_dma source(%arg10 : memref<64x640xf32, #tpu.memory_space<vmem>>) target(%dma_start3A_77 : memref<64x640xf32, #tpu.memory_space<hbm>>) target_semaphore(%arg19 : memref<!tpu.dma_semaphore, #tpu.memory_space<semaphore_mem>>)
    %dma_wait3A_78 = arith.constant 0 : i32
    %dma_wait3A_79 = tpu.memref_slice %arg3[%dma_wait3A_78, %mul3A_55] : memref<64x100000xf32, #tpu.memory_space<hbm>> -> memref<64x640xf32, #tpu.memory_space<hbm>>
    %dma_wait3A_80 = arith.constant 0 : i32
    %dma_wait3A_81 = tpu.memref_slice %arg3[%dma_wait3A_80, %mul3A_55] : memref<64x100000xf32, #tpu.memory_space<hbm>> -> memref<64x640xf32, #tpu.memory_space<hbm>>
    tpu.wait_dma2 semaphore(%arg18 : memref<!tpu.dma_semaphore, #tpu.memory_space<semaphore_mem>>) src(%arg9 : memref<64x640xf32, #tpu.memory_space<vmem>>) dst(%dma_wait3A_81 : memref<64x640xf32, #tpu.memory_space<hbm>>)
    %scan3A_82 = arith.constant 0 : i32
    %scan3A_83 = arith.constant 40 : i32
    %scan3A_84 = arith.addi %scan3A_82, %scan3A_83 : i32
    %scan3A_85 = arith.constant 1 : i32
    scf.for %scan3A_157 = %scan3A_82 to %scan3A_84 step %scan3A_85  : i32 {
      %mul3A_158 = arith.constant 16 : i32
      %mul3A_159 = arith.muli %scan3A_157, %mul3A_158 : i32
      %get3A = arith.index_cast %mul3A_159 : i32 to index
      %get3A_160 = tpu.vector_load %arg4[%get3A] {strides = array<i32>} : memref<640xi32, #tpu.memory_space<vmem>>, vector<16xi32>,
      %mul3A_161 = arith.constant 16 : i32
      %mul3A_162 = arith.muli %scan3A_157, %mul3A_161 : i32
      %add3A_163 = vector.broadcast %mul3A_162 : i32 to vector<16xi32>
      %add3A_164 = arith.addi %add3A_163, %iota3A : vector<16xi32>
      tpu.vector_store_idx %arg9[%get3A_160, %add3A_164], %broadcast_in_dim3A_3 : memref<64x640xf32, #tpu.memory_space<vmem>>[vector<16xi32>, vector<16xi32>], vector<16xf32>,
    }
    %scan3A_86 = arith.constant 40 : i32
    %dma_wait3A_87 = tpu.memref_slice %arg2[%mul3A_31] : memref<100000xi32, #tpu.memory_space<hbm>> -> memref<640xi32, #tpu.memory_space<hbm>>
    %dma_wait3A_88 = tpu.memref_slice %arg2[%mul3A_31] : memref<100000xi32, #tpu.memory_space<hbm>> -> memref<640xi32, #tpu.memory_space<hbm>>
    tpu.wait_dma2 semaphore(%arg15 : memref<!tpu.dma_semaphore, #tpu.memory_space<semaphore_mem>>) src(%dma_wait3A_88 : memref<640xi32, #tpu.memory_space<hbm>>) dst(%arg6 : memref<640xi32, #tpu.memory_space<vmem>>)
    %scan3A_89 = arith.constant 0 : i32
    %scan3A_90 = arith.constant 40 : i32
    %scan3A_91 = arith.addi %scan3A_89, %scan3A_90 : i32
    %scan3A_92 = arith.constant 1 : i32
    scf.for %scan3A_157 = %scan3A_89 to %scan3A_91 step %scan3A_92  : i32 {
      %mul3A_158 = arith.constant 16 : i32
      %mul3A_159 = arith.muli %scan3A_157, %mul3A_158 : i32
      %get3A = arith.index_cast %mul3A_159 : i32 to index
      %get3A_160 = tpu.vector_load %arg6[%get3A] {strides = array<i32>} : memref<640xi32, #tpu.memory_space<vmem>>, vector<16xi32>,
      %mul3A_161 = arith.constant 16 : i32
      %mul3A_162 = arith.muli %scan3A_157, %mul3A_161 : i32
      %add3A_163 = vector.broadcast %mul3A_162 : i32 to vector<16xi32>
      %add3A_164 = arith.addi %add3A_163, %iota3A : vector<16xi32>
      tpu.vector_store_idx %arg9[%get3A_160, %add3A_164], %broadcast_in_dim3A_1 : memref<64x640xf32, #tpu.memory_space<vmem>>[vector<16xi32>, vector<16xi32>], vector<16xf32>,
    }
    %scan3A_93 = arith.constant 40 : i32
    %mul3A_94 = arith.constant 640 : i32
    %mul3A_95 = arith.muli %min3A_14, %mul3A_94 : i32
    %dma_start3A_96 = arith.constant 0 : i32
    %dma_start3A_97 = tpu.memref_slice %arg3[%dma_start3A_96, %mul3A_95] : memref<64x100000xf32, #tpu.memory_space<hbm>> -> memref<64x640xf32, #tpu.memory_space<hbm>>
    %dma_start3A_98 = arith.constant 0 : i32
    %dma_start3A_99 = tpu.memref_slice %arg3[%dma_start3A_98, %mul3A_95] : memref<64x100000xf32, #tpu.memory_space<hbm>> -> memref<64x640xf32, #tpu.memory_space<hbm>>
    tpu.enqueue_dma source(%arg9 : memref<64x640xf32, #tpu.memory_space<vmem>>) target(%dma_start3A_99 : memref<64x640xf32, #tpu.memory_space<hbm>>) target_semaphore(%arg18 : memref<!tpu.dma_semaphore, #tpu.memory_space<semaphore_mem>>)
    %dma_wait3A_100 = arith.constant 0 : i32
    %dma_wait3A_101 = tpu.memref_slice %arg3[%dma_wait3A_100, %mul3A_73] : memref<64x100000xf32, #tpu.memory_space<hbm>> -> memref<64x640xf32, #tpu.memory_space<hbm>>
    %dma_wait3A_102 = arith.constant 0 : i32
    %dma_wait3A_103 = tpu.memref_slice %arg3[%dma_wait3A_102, %mul3A_73] : memref<64x100000xf32, #tpu.memory_space<hbm>> -> memref<64x640xf32, #tpu.memory_space<hbm>>
    tpu.wait_dma2 semaphore(%arg19 : memref<!tpu.dma_semaphore, #tpu.memory_space<semaphore_mem>>) src(%arg10 : memref<64x640xf32, #tpu.memory_space<vmem>>) dst(%dma_wait3A_103 : memref<64x640xf32, #tpu.memory_space<hbm>>)
    %scan3A_104 = arith.constant 0 : i32
    %scan3A_105 = arith.constant 40 : i32
    %scan3A_106 = arith.addi %scan3A_104, %scan3A_105 : i32
    %scan3A_107 = arith.constant 1 : i32
    scf.for %scan3A_157 = %scan3A_104 to %scan3A_106 step %scan3A_107  : i32 {
      %mul3A_158 = arith.constant 16 : i32
      %mul3A_159 = arith.muli %scan3A_157, %mul3A_158 : i32
      %get3A = arith.index_cast %mul3A_159 : i32 to index
      %get3A_160 = tpu.vector_load %arg5[%get3A] {strides = array<i32>} : memref<640xi32, #tpu.memory_space<vmem>>, vector<16xi32>,
      %mul3A_161 = arith.constant 16 : i32
      %mul3A_162 = arith.muli %scan3A_157, %mul3A_161 : i32
      %add3A_163 = vector.broadcast %mul3A_162 : i32 to vector<16xi32>
      %add3A_164 = arith.addi %add3A_163, %iota3A : vector<16xi32>
      tpu.vector_store_idx %arg10[%get3A_160, %add3A_164], %broadcast_in_dim3A_3 : memref<64x640xf32, #tpu.memory_space<vmem>>[vector<16xi32>, vector<16xi32>], vector<16xf32>,
    }
    %scan3A_108 = arith.constant 40 : i32
    %dma_wait3A_109 = tpu.memref_slice %arg2[%mul3A_35] : memref<100000xi32, #tpu.memory_space<hbm>> -> memref<640xi32, #tpu.memory_space<hbm>>
    %dma_wait3A_110 = tpu.memref_slice %arg2[%mul3A_35] : memref<100000xi32, #tpu.memory_space<hbm>> -> memref<640xi32, #tpu.memory_space<hbm>>
    tpu.wait_dma2 semaphore(%arg16 : memref<!tpu.dma_semaphore, #tpu.memory_space<semaphore_mem>>) src(%dma_wait3A_110 : memref<640xi32, #tpu.memory_space<hbm>>) dst(%arg7 : memref<640xi32, #tpu.memory_space<vmem>>)
    %scan3A_111 = arith.constant 0 : i32
    %scan3A_112 = arith.constant 40 : i32
    %scan3A_113 = arith.addi %scan3A_111, %scan3A_112 : i32
    %scan3A_114 = arith.constant 1 : i32
    scf.for %scan3A_157 = %scan3A_111 to %scan3A_113 step %scan3A_114  : i32 {
      %mul3A_158 = arith.constant 16 : i32
      %mul3A_159 = arith.muli %scan3A_157, %mul3A_158 : i32
      %get3A = arith.index_cast %mul3A_159 : i32 to index
      %get3A_160 = tpu.vector_load %arg7[%get3A] {strides = array<i32>} : memref<640xi32, #tpu.memory_space<vmem>>, vector<16xi32>,
      %mul3A_161 = arith.constant 16 : i32
      %mul3A_162 = arith.muli %scan3A_157, %mul3A_161 : i32
      %add3A_163 = vector.broadcast %mul3A_162 : i32 to vector<16xi32>
      %add3A_164 = arith.addi %add3A_163, %iota3A : vector<16xi32>
      tpu.vector_store_idx %arg10[%get3A_160, %add3A_164], %broadcast_in_dim3A_1 : memref<64x640xf32, #tpu.memory_space<vmem>>[vector<16xi32>, vector<16xi32>], vector<16xf32>,
    }
    %scan3A_115 = arith.constant 40 : i32
    %mul3A_116 = arith.constant 640 : i32
    %mul3A_117 = arith.muli %min3A_18, %mul3A_116 : i32
    %dma_start3A_118 = arith.constant 0 : i32
    %dma_start3A_119 = tpu.memref_slice %arg3[%dma_start3A_118, %mul3A_117] : memref<64x100000xf32, #tpu.memory_space<hbm>> -> memref<64x640xf32, #tpu.memory_space<hbm>>
    %dma_start3A_120 = arith.constant 0 : i32
    %dma_start3A_121 = tpu.memref_slice %arg3[%dma_start3A_120, %mul3A_117] : memref<64x100000xf32, #tpu.memory_space<hbm>> -> memref<64x640xf32, #tpu.memory_space<hbm>>
    tpu.enqueue_dma source(%arg10 : memref<64x640xf32, #tpu.memory_space<vmem>>) target(%dma_start3A_121 : memref<64x640xf32, #tpu.memory_space<hbm>>) target_semaphore(%arg19 : memref<!tpu.dma_semaphore, #tpu.memory_space<semaphore_mem>>)
    %dma_wait3A_122 = arith.constant 0 : i32
    %dma_wait3A_123 = tpu.memref_slice %arg3[%dma_wait3A_122, %mul3A_95] : memref<64x100000xf32, #tpu.memory_space<hbm>> -> memref<64x640xf32, #tpu.memory_space<hbm>>
    %dma_wait3A_124 = arith.constant 0 : i32
    %dma_wait3A_125 = tpu.memref_slice %arg3[%dma_wait3A_124, %mul3A_95] : memref<64x100000xf32, #tpu.memory_space<hbm>> -> memref<64x640xf32, #tpu.memory_space<hbm>>
    tpu.wait_dma2 semaphore(%arg18 : memref<!tpu.dma_semaphore, #tpu.memory_space<semaphore_mem>>) src(%arg9 : memref<64x640xf32, #tpu.memory_space<vmem>>) dst(%dma_wait3A_125 : memref<64x640xf32, #tpu.memory_space<hbm>>)
    %scan3A_126 = arith.constant 0 : i32
    %scan3A_127 = arith.constant 40 : i32
    %scan3A_128 = arith.addi %scan3A_126, %scan3A_127 : i32
    %scan3A_129 = arith.constant 1 : i32
    scf.for %scan3A_157 = %scan3A_126 to %scan3A_128 step %scan3A_129  : i32 {
      %mul3A_158 = arith.constant 16 : i32
      %mul3A_159 = arith.muli %scan3A_157, %mul3A_158 : i32
      %get3A = arith.index_cast %mul3A_159 : i32 to index
      %get3A_160 = tpu.vector_load %arg6[%get3A] {strides = array<i32>} : memref<640xi32, #tpu.memory_space<vmem>>, vector<16xi32>,
      %mul3A_161 = arith.constant 16 : i32
      %mul3A_162 = arith.muli %scan3A_157, %mul3A_161 : i32
      %add3A_163 = vector.broadcast %mul3A_162 : i32 to vector<16xi32>
      %add3A_164 = arith.addi %add3A_163, %iota3A : vector<16xi32>
      tpu.vector_store_idx %arg9[%get3A_160, %add3A_164], %broadcast_in_dim3A_3 : memref<64x640xf32, #tpu.memory_space<vmem>>[vector<16xi32>, vector<16xi32>], vector<16xf32>,
    }
    %scan3A_130 = arith.constant 40 : i32
    %dma_wait3A_131 = tpu.memref_slice %arg2[%mul3A_39] : memref<100000xi32, #tpu.memory_space<hbm>> -> memref<640xi32, #tpu.memory_space<hbm>>
    %dma_wait3A_132 = tpu.memref_slice %arg2[%mul3A_39] : memref<100000xi32, #tpu.memory_space<hbm>> -> memref<640xi32, #tpu.memory_space<hbm>>
    tpu.wait_dma2 semaphore(%arg17 : memref<!tpu.dma_semaphore, #tpu.memory_space<semaphore_mem>>) src(%dma_wait3A_132 : memref<640xi32, #tpu.memory_space<hbm>>) dst(%arg8 : memref<640xi32, #tpu.memory_space<vmem>>)
    %scan3A_133 = arith.constant 0 : i32
    %scan3A_134 = arith.constant 40 : i32
    %scan3A_135 = arith.addi %scan3A_133, %scan3A_134 : i32
    %scan3A_136 = arith.constant 1 : i32
    scf.for %scan3A_157 = %scan3A_133 to %scan3A_135 step %scan3A_136  : i32 {
      %mul3A_158 = arith.constant 16 : i32
      %mul3A_159 = arith.muli %scan3A_157, %mul3A_158 : i32
      %get3A = arith.index_cast %mul3A_159 : i32 to index
      %get3A_160 = tpu.vector_load %arg8[%get3A] {strides = array<i32>} : memref<640xi32, #tpu.memory_space<vmem>>, vector<16xi32>,
      %mul3A_161 = arith.constant 16 : i32
      %mul3A_162 = arith.muli %scan3A_157, %mul3A_161 : i32
      %add3A_163 = vector.broadcast %mul3A_162 : i32 to vector<16xi32>
      %add3A_164 = arith.addi %add3A_163, %iota3A : vector<16xi32>
      tpu.vector_store_idx %arg9[%get3A_160, %add3A_164], %broadcast_in_dim3A_1 : memref<64x640xf32, #tpu.memory_space<vmem>>[vector<16xi32>, vector<16xi32>], vector<16xf32>,
    }
    %scan3A_137 = arith.constant 40 : i32
    %mul3A_138 = arith.constant 640 : i32
    %mul3A_139 = arith.muli %min3A_22, %mul3A_138 : i32
    %dma_start3A_140 = arith.constant 0 : i32
    %dma_start3A_141 = tpu.memref_slice %arg3[%dma_start3A_140, %mul3A_139] : memref<64x100000xf32, #tpu.memory_space<hbm>> -> memref<64x640xf32, #tpu.memory_space<hbm>>
    %dma_start3A_142 = arith.constant 0 : i32
    %dma_start3A_143 = tpu.memref_slice %arg3[%dma_start3A_142, %mul3A_139] : memref<64x100000xf32, #tpu.memory_space<hbm>> -> memref<64x640xf32, #tpu.memory_space<hbm>>
    tpu.enqueue_dma source(%arg9 : memref<64x640xf32, #tpu.memory_space<vmem>>) target(%dma_start3A_143 : memref<64x640xf32, #tpu.memory_space<hbm>>) target_semaphore(%arg18 : memref<!tpu.dma_semaphore, #tpu.memory_space<semaphore_mem>>)
    %eq3A_144 = arith.constant 31 : i32
    %eq3A_145 = arith.cmpi eq, %add3A, %eq3A_144 : i32
    %convert_element_type3A_146 = arith.extui %eq3A_145 : i1 to i32
    %cond3A_147 = arith.constant 0 : i32
    %cond3A_148 = arith.cmpi ne, %convert_element_type3A_146, %cond3A_147 : i32
    scf.if %cond3A_148 {
      %dma_wait3A_157 = arith.constant 0 : i32
      %dma_wait3A_158 = arith.constant 99840 : i32
      %dma_wait3A_159 = tpu.memref_slice %arg3[%dma_wait3A_157, %dma_wait3A_158] : memref<64x100000xf32, #tpu.memory_space<hbm>> -> memref<64x160xf32, #tpu.memory_space<hbm>>
      %dma_wait3A_160 = arith.constant 0 : i32
      %dma_wait3A_161 = arith.constant 99840 : i32
      %dma_wait3A_162 = tpu.memref_slice %arg3[%dma_wait3A_160, %dma_wait3A_161] : memref<64x100000xf32, #tpu.memory_space<hbm>> -> memref<64x160xf32, #tpu.memory_space<hbm>>
      tpu.wait_dma2 semaphore(%arg20 : memref<!tpu.dma_semaphore, #tpu.memory_space<semaphore_mem>>) src(%arg12 : memref<64x160xf32, #tpu.memory_space<vmem>>) dst(%dma_wait3A_162 : memref<64x160xf32, #tpu.memory_space<hbm>>)
    } else {
    }
    %dma_wait3A_149 = arith.constant 0 : i32
    %dma_wait3A_150 = tpu.memref_slice %arg3[%dma_wait3A_149, %mul3A_139] : memref<64x100000xf32, #tpu.memory_space<hbm>> -> memref<64x640xf32, #tpu.memory_space<hbm>>
    %dma_wait3A_151 = arith.constant 0 : i32
    %dma_wait3A_152 = tpu.memref_slice %arg3[%dma_wait3A_151, %mul3A_139] : memref<64x100000xf32, #tpu.memory_space<hbm>> -> memref<64x640xf32, #tpu.memory_space<hbm>>
    tpu.wait_dma2 semaphore(%arg18 : memref<!tpu.dma_semaphore, #tpu.memory_space<semaphore_mem>>) src(%arg9 : memref<64x640xf32, #tpu.memory_space<vmem>>) dst(%dma_wait3A_152 : memref<64x640xf32, #tpu.memory_space<hbm>>)
    %dma_wait3A_153 = arith.constant 0 : i32
    %dma_wait3A_154 = tpu.memref_slice %arg3[%dma_wait3A_153, %mul3A_117] : memref<64x100000xf32, #tpu.memory_space<hbm>> -> memref<64x640xf32, #tpu.memory_space<hbm>>
    %dma_wait3A_155 = arith.constant 0 : i32
    %dma_wait3A_156 = tpu.memref_slice %arg3[%dma_wait3A_155, %mul3A_117] : memref<64x100000xf32, #tpu.memory_space<hbm>> -> memref<64x640xf32, #tpu.memory_space<hbm>>
    tpu.wait_dma2 semaphore(%arg19 : memref<!tpu.dma_semaphore, #tpu.memory_space<semaphore_mem>>) src(%arg10 : memref<64x640xf32, #tpu.memory_space<vmem>>) dst(%dma_wait3A_156 : memref<64x640xf32, #tpu.memory_space<hbm>>)
    return
  }
}

</mosaic_0001>

<sc_bundles>
// kernel: _onehot_sc.3.cloned.1.call-start
scs
__scs_entry_jumppad:
0x0: {  	(pc) =	sbr.rel $0x88, $3  }
0x1: {  	(tag) =	ssettag $0x0;
	lr =	simm.s32 $0x1  }
0x2: {  	[smem:$0x3FA0] =	sst lr;
	_ =	strace $0xD0000000  }
0x3: {  	_ = 	snop  }
0x4: {  	_ = 	snop  }
0x5: {  	_ = 	snop  }
0x6: {  	_ = 	snop  }
0x7: {  	_ = 	snop  }
__scs_overlays_trampoline_lowered:
0x8: {  	[smem:$0x3FAF] =	sst s0  }
0x9: {  	[smem:$0x3FB0] =	sst s1  }
0xa: {  	[smem:$0x3FB1] =	sst s2  }
0xb: {  	[smem:$0x3FB2] =	sst s3  }
0xc: {  	[smem:$0x3FB3] =	sst s4  }
0xd: {  	[smem:$0x3FB4] =	sst s5  }
0xe: {  	[smem:$0x3FB5] =	sst s6  }
0xf: {  	[smem:$0x3FB6] =	sst s7  }
0x10: {  	[smem:$0x3FB7] =	sst s8  }
0x11: {  	[smem:$0x3FB8] =	sst s9;
	s0 =	simm.s32 @!p0 $0x0  }
0x12: {  	s1 =	sld [smem:$0x3F9E];
	s0 =	simm.s32 @p0 $0x1  }
0x13: {  	[smem:$0x3FB9] =	sst s0;
	s0 =	simm.s32 @!p1 $0x0  }
0x14: {  	s2 =	sld [smem:$0x3F9D];
	s0 =	simm.s32 @p1 $0x1  }
0x15: {  	[smem:$0x3FBA] =	sst s0;
	s0 =	simm.s32 @!p2 $0x0  }
0x16: {  	s3 =	sld [smem:$0x3FDB];
	s0 =	simm.s32 @p2 $0x1  }
0x17: {  	s4 =	simm.s32 $0x1BF5;
	[smem:$0x3FBC] =	sst s0  }
0x18: {  	s0 =	sld [smem:$0x3F9F];
	_ =	swait.ge [sflag:s4], $0x0  }
0x19: {  	s7 =	sld [smem:$0x3FA0]  }
0x1a: {  	s8 =	sadd.s32 $0xFFFFE003, lr  }
0x1b: {  	s9 =	sadd.s32 $0xFFFFFEF7, lr;
	s5 =	simm.s32 $0xFFFFFFFF;
	p2 =	slt.u32 s8, $0xFFFFF086  }
0x1c: {  	p1 =	slt.u32 s9, $0xF7A;
	s5 =	simm.s32 @!p2 $0x0  }
0x1d: {  	s5 =	simm.s32 @p1 $0x1;
	p0 =	seq.s32 s7, s2  }
0x1e: {  	s7 =	smul.u32 @!p0 $0xF7A, s2;
	p2 =	seq.s32 @!p0 s5, $0x0  }
0x1f: {  	s9 =	smul.u32 $0xF7A, s1;
	s8 =	simm.s32 @!p0 $0x1BF5;
	p2 =	por !p2, p0  }
0x20: {  	[sflag:s8] =	ssyncset.s32 @!p0 $0xFFFFF086;
	s6 =	sadd.s32 @!p0 s3, s7;
	s7 =	simm.s32 @!p0 $0x108  }
0x21: {  	s3 =	sadd.s32 s3, s9;
	s6 =	sadd.s32 @!p0 $0x88, s6;
	s7 =	simm.s32 @p2 $0x1082  }
0x22: {  	[simem:s7], [sflag:s8] =	dma.local @!p0 [hbm:s6], $0xF7A  }
0x23: {  	s9 =	sor.u32 $0xD0000000, s2;
	s6 =	simm.s32 $0x108;
	_ =	swait.ge @!p0 [sflag:s8], $0x0  }
0x24: {  	s3 =	sadd.s32 $0x88, s3;
	s6 =	simm.s32 @!p1 $0x1082;
	[sflag:s4] =	ssyncset.s32 $0xFFFFF086  }
0x25: {  	[simem:s6], [sflag:s4] =	dma.local [hbm:s3], $0xF7A  }
0x26: {  	[smem:$0x3FA0] =	sst s1;
	(tag) =	ssettag s2;
	_ =	strace s9  }
0x27: {  	s1 =	sld [smem:$0x3FB0]  }
0x28: {  	s2 =	sld [smem:$0x3FB1]  }
0x29: {  	s4 =	sld [smem:$0x3FB3]  }
0x2a: {  	p0 =	seq.s32 s5, $0x0;
	s5 =	sld [smem:$0x3FB4]  }
0x2b: {  	s6 =	sld [smem:$0x3FB5]  }
0x2c: {  	s7 =	sld [smem:$0x3FB6]  }
0x2d: {  	s3 =	simm.s32 $0x108;
	s8 =	sld [smem:$0x3FB7]  }
0x2e: {  	s3 =	simm.s32 @!p0 $0x1082;
	s9 =	sld [smem:$0x3FB8]  }
0x2f: {  	lr =	sadd.s32 s0, s3;
	s0 =	sld [smem:$0x3FAF]  }
0x30: {  	s3 =	sld [smem:$0x3FB2]  }
0x31: {  	[smem:$0x3FBB] =	sst s10  }
0x32: {  	s10 =	sld [smem:$0x3FB9];
	_ =	sdelay $0x3  }
0x33: {  	p0 =	seq.s32 s10, $0x1;
	s10 =	sld [smem:$0x3FBB];
	_ =	sdelay $0x3  }
0x34: {  	[smem:$0x3FBB] =	sst s10  }
0x35: {  	s10 =	sld [smem:$0x3FBA];
	_ =	sdelay $0x3  }
0x36: {  	p1 =	seq.s32 s10, $0x1;
	s10 =	sld [smem:$0x3FBB];
	_ =	sdelay $0x3  }
0x37: {  	[smem:$0x3FBB] =	sst s10  }
0x38: {  	s10 =	sld [smem:$0x3FBC]  }
0x39: {  	_ = 	snop;
	(pc) =	sbr.ind lr, $3  }
0x3a: {  	_ = 	snop  }
0x3b: {  	_ = 	snop  }
0x3c: {  	p2 =	seq.s32 s10, $0x1;
	s10 =	sld [smem:$0x3FBB]  }
0x3d: {  	_ =	shalt  }
0x3e: {  	_ =	shalt  }
0x3f: {  	_ =	shalt  }
0x40: {  	_ =	shalt  }
0x41: {  	_ =	shalt  }
0x42: {  	_ =	shalt  }
0x43: {  	_ =	shalt  }
0x44: {  	_ =	shalt  }
0x45: {  	_ =	shalt  }
0x46: {  	_ =	shalt  }
0x47: {  	_ =	shalt  }
0x48: {  	_ =	shalt  }
0x49: {  	_ =	shalt  }
0x4a: {  	_ =	shalt  }
0x4b: {  	_ =	shalt  }
0x4c: {  	_ =	shalt  }
0x4d: {  	_ =	shalt  }
0x4e: {  	_ =	shalt  }
0x4f: {  	_ =	shalt  }
0x50: {  	_ =	shalt  }
0x51: {  	_ =	shalt  }
0x52: {  	_ =	shalt  }
0x53: {  	_ =	shalt  }
0x54: {  	_ =	shalt  }
0x55: {  	_ =	shalt  }
0x56: {  	_ =	shalt  }
0x57: {  	_ =	shalt  }
0x58: {  	_ =	shalt  }
0x59: {  	_ =	shalt  }
0x5a: {  	_ =	shalt  }
0x5b: {  	_ =	shalt  }
0x5c: {  	_ =	shalt  }
0x5d: {  	_ =	shalt  }
0x5e: {  	_ =	shalt  }
0x5f: {  	_ =	shalt  }
0x60: {  	_ =	shalt  }
0x61: {  	_ =	shalt  }
0x62: {  	_ =	shalt  }
0x63: {  	_ =	shalt  }
0x64: {  	_ =	shalt  }
0x65: {  	_ =	shalt  }
0x66: {  	_ =	shalt  }
0x67: {  	_ =	shalt  }
0x68: {  	_ =	shalt  }
0x69: {  	_ =	shalt  }
0x6a: {  	_ =	shalt  }
0x6b: {  	_ =	shalt  }
0x6c: {  	_ =	shalt  }
0x6d: {  	_ =	shalt  }
0x6e: {  	_ =	shalt  }
0x6f: {  	_ =	shalt  }
0x70: {  	_ =	shalt  }
0x71: {  	_ =	shalt  }
0x72: {  	_ =	shalt  }
0x73: {  	_ =	shalt  }
0x74: {  	_ =	shalt  }
0x75: {  	_ =	shalt  }
0x76: {  	_ =	shalt  }
0x77: {  	_ =	shalt  }
0x78: {  	_ =	shalt  }
0x79: {  	_ =	shalt  }
0x7a: {  	_ =	shalt  }
0x7b: {  	_ =	shalt  }
0x7c: {  	_ =	shalt  }
0x7d: {  	_ =	shalt  }
0x7e: {  	_ =	shalt  }
0x7f: {  	_ =	shalt  }
0x80: {  	_ =	shalt  }
0x81: {  	_ =	shalt  }
0x82: {  	_ =	shalt  }
0x83: {  	_ =	shalt  }
0x84: {  	_ =	shalt  }
0x85: {  	_ =	shalt  }
0x86: {  	_ =	shalt  }
0x87: {  	_ =	shalt  }
.Lfunc_end0:
.L_simem_size_0:
called_computation_lowered:
.L_overlay_start_0:
0x88: {  	s2 =	sld [smem:$0x3FD9]  }
0x89: {  	s3 =	sld [smem:$0x3FFE];
	_ =	sdelay $0x1  }
0x8a: {  	s1 =	srdreg.scid  }
0x8b: {  	s0 =	sand.u32 $0x1, s1  }
0x8c: {  	s18 =	sshll.u32 s0, $0xA;
	s2 =	sadd.s32 s3, s2  }
0x8d: {  	s2 =	sadd.s32 s2, s18  }
0x8e: {  	[smem:$0x3FC7] =	sst s2  }
0x8f: {  	_ = 	snop  }
0x90: {  	s2 =	sld [smem:$0x3FC9]  }
0x91: {  	s19 =	sld [smem:$0x3FD0];
	(tm) =	ssettm $0x1  }
0x92: {  	s4 =	sld [smem:$0x3FFB];
	_ =	sdelay $0x3  }
0x93: {  	_ =	strace s4  }
0x94: {  	s4 =	sld [smem:$0x3FFC];
	_ =	sdelay $0x3  }
0x95: {  	_ =	strace s4  }
0x96: {  	s4 =	sld [smem:$0x3FFD];
	_ =	sdelay $0x3  }
0x97: {  	_ =	strace s4  }
0x98: {  	_ =	strace $0x8FFFFFFF  }
0x99: {  	s20 =	sld [smem:$0x3FDB];
	_ =	sdelay $0x1  }
0x9a: {  	s5 =	simm.s32 $_scs_section_size  }
0x9b: {  	s6 =	simm.s32 $_size__tile_overlayer_lowered;
	s7 =	simm.s32 $_tile_overlayer_lowered  }
0x9c: {  	s23 =	simm.s32 $0x1BFF;
	s22 =	sshll.u32 s7, $0x1;
	s4 =	sadd.s32 s5, s20  }
0x9d: {  	s8 =	simm.s32 $0x0;
	s21 =	sshll.u32 s6, $0x1;
	s6 =	sadd.s32 s22, s4  }
0x9e: {  	[timem:s8], [sflag:s23] =	dma.local [hbm:s6], s21  }
0x9f: {  	_ =	swait.ge [sflag:s23], s21  }
0xa0: {  	s5 =	ssub.s32 $0x0, s21;
	[sflag:s23] =	ssyncset.done $0x0  }
0xa1: {  	[sflag:s23] =	ssyncadd.s32 s5;
	_ =	sdelay $0x1  }
0xa2: {  	s24 =	simm.s32 $0x1B8B  }
0xa3: {  	_ =	swait.ge [sflag:s24], $0x1  }
0xa4: {  	[sflag:s24] =	ssyncset.done $0x0  }
0xa5: {  	s25 =	simm.s32 $0x1B8E;
	[sflag:s24] =	ssyncadd.s32 $0xFFFFFFFF  }
0xa6: {  	s26 =	simm.s32 $execute0_lowered;
	[smem:$0x3FD2] =	sst s25  }
0xa7: {  	s5 =	sshll.u32 s26, $0x1;
	_ =	strace $0x80000046;
	[dreg:$0x1] =	wrdreg $0xFFFFFFFF  }
0xa8: {  	s28 =	simm.s32 $_size_execute0_lowered;
	s4 =	sadd.s32 s4, s5;
	[dreg:$0x0] =	wrdreg $0x0  }
0xa9: {  	s5 =	sshll.u32 s28, $0x1;
	[dreg:$0x2] =	wrdreg s4  }
0xaa: {  	[dreg:$0x3] =	wrdreg s5  }
0xab: {  	[dreg:$0x4] =	wrdreg $0xC0  }
0xac: {  	_ =	task [dreg:s8], $0x5FFFF  }
0xad: {  	[dreg:$0x1] =	wrdreg $0xFFFFFFFF  }
0xae: {  	[dreg:$0x0] =	wrdreg $0x60  }
0xaf: {  	[dreg:$0x2] =	wrdreg s2  }
0xb0: {  	[dreg:$0x3] =	wrdreg s19  }
0xb1: {  	[dreg:$0x4] =	wrdreg $0x9  }
0xb2: {  	_ =	task.clear_ibuf [dreg:s8], $0x5FFFF;
	_ =	strace $0x90000046  }
0xb3: {  	s29 =	simm.s32 $0x9;
	_ =	strace $0x80000048  }
0xb4: {  	_ =	swait.ge [sflag:s29], $0x1  }
0xb5: {  	[sflag:s29] =	ssyncadd.s32 $0xFFFFFFFF  }
0xb6: {  	_ =	strace $0x90000048  }
0xb7: {  	_ =	sfence  }
0xb8: {  	s30 =	sld [smem:$0x0];
	_ =	sdelay $0x2  }
0xb9: {  	s31 =	sshll.u32 s1, $0xD;
	s1 =	sshrl.u32 s1, $0x2  }
0xba: {  	s3 =	sand.u32 $0x4000, s31;
	s1 =	sadd.s32 s1, s30  }
0xbb: {  	s0 =	sor.u32 s3, s0;
	s1 =	sshll.u32 s1, $0x11  }
0xbc: {  	s0 =	sor.u32 s1, s0  }
0xbd: {  	s0 =	sadd.s32 $0x8F2B, s0  }
0xbe: {  	[sflag:s0] =	ssyncadd.remote.s32 $0x1  }
0xbf: {  	_ =	sfence.sel $0xFFFF  }
0xc0: {  	[dreg:$0x0] =	wrdreg $0xFFFFFFFF;
	(pc) =	sbr.abs _section_cstart, $3  }
0xc1: {  	[dreg:$0x1] =	wrdreg $0xFFFFFFFF  }
0xc2: {  	_ =	task.clear_ibuf [dreg:s8], $0x2FFFF;
	_ =	strace $0x9FFFFFFF  }
0xc3: {  	(tm) =	ssettm $0x7FFFFFFF  }
tec
execute0_lowered:
.L_overlay_start_1:
0x0: {  	(tag) =	ssettag $0x1  }
0x1: {  	s0 =	srdreg.scid;
	s8 =	rddreg [dreg:$0x0]  }
0x2: {  	s2 =	stileid.u32;
	s14 =	rddreg [dreg:$0x1];
	s20 =	simm.s32 $0xC80  }
0x3: {  	s22 =	simm.s32 $0x9;
	s1 =	sand.u32 $0x1, s0;
	s24 =	sshll.u32 s2, $0x1  }
0x4: {  	s23 =	simm.s32 $0x14D80;
	s28 =	simm.s32 $0x1400;
	s0 =	sor.u32 s1, s24  }
0x5: {  	s29 =	simm.s32 $0xAC80;
	s30 =	simm.s32 $0x2;
	s3 =	smul.u32 $0x50, s0  }
0x6: {  	v0 =	vlaneseq.u32;
	v1 =	vimm.f32 $0.0e+00;
	s31 =	simm.s32 $0x6;
	v41 =	vimm.f32 $1.000000000e+00;
	s4 =	sor.u32 $0x20, s0;
	s15 =	smul.u32 $0x280, s0  }
0x7: {  	s21 =	simm.s32 $0x4;
	v2 =	vor.u32 $0x10, v0;
	v3 =	vor.u32 $0x20, v0;
	v4 =	vor.u32 $0x30, v0;
	s6 =	sor.u32 $0x40, s0;
	s5 =	smul.u32 $0x50, s4  }
0x8: {  	s2 =	simm.s32 $0x0;
	v5 =	vor.u32 $0x40, v0;
	v6 =	vor.u32 $0x50, v0;
	v7 =	vor.u32 $0x60, v0;
	s9 =	sor.u32 $0x60, s0;
	s10 =	smul.u32 $0x50, s6  }
0x9: {  	v8 =	vor.u32 $0x70, v0;
	v9 =	vor.u32 $0x400, v0;
	v10 =	vor.u32 $0x410, v0;
	[smem:$0x7FF] =	sst s2;
	s1 =	ssub.s32 $0x2, s1;
	s25 =	smul.u32 $0x50, s9  }
0xa: {  	v11 =	vor.u32 $0x420, v0;
	v12 =	vor.u32 $0x430, v0;
	v13 =	vor.u32 $0x440, v0;
	s24 =	simm.s32 $0x5;
	s7 =	smin.u32 s0, $0x1B;
	s26 =	smul.u32 $0x280, s4  }
0xb: {  	v14 =	vor.u32 $0x450, v0;
	v15 =	vor.u32 $0x460, v0;
	v16 =	vor.u32 $0x470, v0;
	_ =	strace $0x80000047;
	s13 =	sshrl.u32 s1, $0x1;
	s16 =	smul.u32 $0x280, s6  }
0xc: {  	v17 =	vor.u32 $0x800, v0;
	v18 =	vor.u32 $0x810, v0;
	v19 =	vor.u32 $0x820, v0;
	p0 =	sne.s32 s0, $0x1F;
	s11 =	sor.u32 $0x80, s7;
	s17 =	smul.u32 $0x280, s9  }
0xd: {  	v20 =	vor.u32 $0x830, v0;
	v21 =	vor.u32 $0x840, v0;
	v22 =	vor.u32 $0x850, v0;
	s0 =	simm.s32 $0x7;
	s1 =	ssub.s32 s1, s13;
	s12 =	smul.u32 $0x50, s11  }
0xe: {  	v23 =	vor.u32 $0x860, v0;
	v24 =	vor.u32 $0x870, v0;
	v25 =	vor.u32 $0xC00, v0;
	s9 =	sadd.s32 $0x18600, s14;
	s3 =	sadd.s32 s8, s3;
	s18 =	smul.u32 $0x280, s11  }
0xf: {  	v26 =	vor.u32 $0xC10, v0;
	v27 =	vor.u32 $0xC20, v0;
	v28 =	vor.u32 $0xC30, v0;
	s4 =	sadd.s32 s8, s5;
	s5 =	sadd.s32 s8, s10;
	s6 =	sadd.s32 s8, s25  }
0x10: {  	v29 =	vor.u32 $0xC40, v0;
	v30 =	vor.u32 $0xC50, v0;
	v31 =	vor.u32 $0xC60, v0;
	s10 =	sadd.s32 s14, s15;
	s11 =	sadd.s32 s14, s26;
	s13 =	sadd.s32 s14, s17  }
0x11: {  	v32 =	vor.u32 $0xC70, v0;
	v33 =	vor.u32 $0x1000, v0;
	v34 =	vor.u32 $0x1010, v0;
	s15 =	smax.u32 s1, $0x1;
	s25 =	simm.s32 $0xC3800;
	s26 =	simm.s32 $0x1  }
0x12: {  	v35 =	vor.u32 $0x1020, v0;
	v36 =	vor.u32 $0x1030, v0;
	v37 =	vor.u32 $0x1040, v0;
	s1 =	simm.s32 $0x3;
	s7 =	sadd.s32 s8, s12;
	s8 =	sadd.s32 $0x30C0, s8  }
0x13: {  	v38 =	vor.u32 $0x1050, v0;
	v39 =	vor.u32 $0x1060, v0;
	v40 =	vor.u32 $0x1070, v0;
	s12 =	sadd.s32 s14, s16;
	s14 =	sadd.s32 s14, s18;
	s16 =	simm.s32 $0x0  }
.LBB2_1:
0x14: {  	v42 =	vmov s2  }
0x15: {  	[tilespmem:s2], [sflag:$0x1] =	stream.linear.gather [hbm4b:s3+s2], $0x280, $0x38;
	v43 =	vshrl.u32 v42, $0x3;
	[tilespmem:$0x18D80] =	vst v63  }
0x16: {  	s17 =	simm.s32 $0x280;
	v42 =	vshll.u32 v42, $0x7;
	v43 =	vmul.u32 $0x1400, v43  }
0x17: {  	[tilespmem:s17], [sflag:$0x2] =	stream.linear.gather [hbm4b:s4+s2], $0x280, $0x38;
	v42 =	vand.u32 $0x380, v42;
	[tilespmem:$0x18D80] =	vst v63  }
0x18: {  	s19 =	simm.s32 $0x500;
	v42 =	vor.u32 v42, v43  }
0x19: {  	[tilespmem:s19], [sflag:$0x3] =	stream.linear.gather [hbm4b:s5+s2], $0x280, $0x38;
	v43 =	vor.u32 v0, v42;
	[tilespmem:$0x18D80] =	vst v63  }
0x1a: {  	s18 =	simm.s32 $0x780;
	v44 =	vor.u32 v2, v42  }
0x1b: {  	v45 =	vor.u32 v3, v42;
	[tilespmem:s18], [sflag:$0x4] =	stream.linear.gather [hbm4b:s6+s2], $0x280, $0x38;
	[tilespmem:$0x18D80] =	vst v63  }
0x1c: {  	s19 =	simm.s32 $0xA00;
	v46 =	vor.u32 v4, v42  }
0x1d: {  	v47 =	vor.u32 v5, v42;
	[tilespmem:s19], [sflag:$0x5] =	stream.linear.gather [hbm4b:s7+s2], $0x280, $0x38;
	[tilespmem:$0x18D80] =	vst v63  }
0x1e: {  	v56 =	vor.u32 v6, v42;
	[tilespmem:v43+s20+$0x0] =	vst.idx.msk $0xffff, v1  }
0x1f: {  	v57 =	vor.u32 v7, v42;
	[tilespmem:v44+s20+$0x0] =	vst.idx.msk $0xffff, v1  }
0x20: {  	v58 =	vor.u32 v8, v42;
	[tilespmem:v45+s20+$0x0] =	vst.idx.msk $0xffff, v1  }
0x21: {  	v59 =	vadd.s32 v9, v42;
	[tilespmem:v46+s20+$0x0] =	vst.idx.msk $0xffff, v1  }
0x22: {  	v60 =	vadd.s32 v10, v42;
	[tilespmem:v47+s20+$0x0] =	vst.idx.msk $0xffff, v1  }
0x23: {  	v61 =	vadd.s32 v11, v42;
	[tilespmem:v56+s20+$0x0] =	vst.idx.msk $0xffff, v1  }
0x24: {  	v62 =	vadd.s32 v12, v42;
	[tilespmem:v57+s20+$0x0] =	vst.idx.msk $0xffff, v1  }
0x25: {  	v63 =	vadd.s32 v13, v42;
	[tilespmem:v58+s20+$0x0] =	vst.idx.msk $0xffff, v1  }
0x26: {  	v48 =	vadd.s32 v14, v42;
	[tilespmem:v59+s20+$0x0] =	vst.idx.msk $0xffff, v1  }
0x27: {  	v49 =	vadd.s32 v15, v42;
	[tilespmem:v60+s20+$0x0] =	vst.idx.msk $0xffff, v1  }
0x28: {  	v50 =	vadd.s32 v16, v42;
	[tilespmem:v61+s20+$0x0] =	vst.idx.msk $0xffff, v1  }
0x29: {  	v51 =	vadd.s32 v17, v42;
	[tilespmem:v62+s20+$0x0] =	vst.idx.msk $0xffff, v1  }
0x2a: {  	v52 =	vadd.s32 v18, v42;
	[tilespmem:v63+s20+$0x0] =	vst.idx.msk $0xffff, v1  }
0x2b: {  	v53 =	vadd.s32 v19, v42;
	[tilespmem:v48+s20+$0x0] =	vst.idx.msk $0xffff, v1  }
0x2c: {  	v54 =	vadd.s32 v20, v42;
	[tilespmem:v49+s20+$0x0] =	vst.idx.msk $0xffff, v1  }
0x2d: {  	v55 =	vadd.s32 v21, v42;
	[tilespmem:v50+s20+$0x0] =	vst.idx.msk $0xffff, v1  }
0x2e: {  	v56 =	vadd.s32 v22, v42;
	[tilespmem:v51+s20+$0x0] =	vst.idx.msk $0xffff, v1  }
0x2f: {  	v57 =	vadd.s32 v23, v42;
	[tilespmem:v52+s20+$0x0] =	vst.idx.msk $0xffff, v1  }
0x30: {  	v58 =	vadd.s32 v24, v42;
	[tilespmem:v53+s20+$0x0] =	vst.idx.msk $0xffff, v1  }
0x31: {  	v59 =	vadd.s32 v25, v42;
	[tilespmem:v54+s20+$0x0] =	vst.idx.msk $0xffff, v1  }
0x32: {  	v60 =	vadd.s32 v26, v42;
	[tilespmem:v55+s20+$0x0] =	vst.idx.msk $0xffff, v1  }
0x33: {  	v61 =	vadd.s32 v27, v42;
	[tilespmem:v56+s20+$0x0] =	vst.idx.msk $0xffff, v1  }
0x34: {  	v62 =	vadd.s32 v28, v42;
	[tilespmem:v57+s20+$0x0] =	vst.idx.msk $0xffff, v1  }
0x35: {  	v63 =	vadd.s32 v29, v42;
	[tilespmem:v58+s20+$0x0] =	vst.idx.msk $0xffff, v1  }
0x36: {  	v49 =	vadd.s32 v30, v42;
	[tilespmem:v59+s20+$0x0] =	vst.idx.msk $0xffff, v1  }
0x37: {  	v47 =	vadd.s32 v31, v42;
	[tilespmem:v60+s20+$0x0] =	vst.idx.msk $0xffff, v1  }
0x38: {  	v48 =	vadd.s32 v32, v42;
	[tilespmem:v61+s20+$0x0] =	vst.idx.msk $0xffff, v1  }
0x39: {  	v44 =	vadd.s32 v33, v42;
	[tilespmem:v62+s20+$0x0] =	vst.idx.msk $0xffff, v1  }
0x3a: {  	v45 =	vadd.s32 v34, v42;
	[tilespmem:v63+s20+$0x0] =	vst.idx.msk $0xffff, v1  }
0x3b: {  	s17 =	simm.s32 $0x1;
	v43 =	vadd.s32 v36, v42;
	v46 =	vadd.s32 v35, v42;
	[tilespmem:v49+s20+$0x0] =	vst.idx.msk $0xffff, v1  }
.LBB2_2:
0x3c: {  	v49 =	vmov s17;
	p1 =	sne.s32 s17, $0x3F;
	s17 =	sadd.s32 $0x1, s17;
	[tilespmem:v47+s20+$0x0] =	vst.idx.msk $0xffff, v1  }
0x3d: {  	v47 =	vshrl.u32 v49, $0x3;
	v49 =	vshll.u32 v49, $0x7;
	[tilespmem:v48+s20+$0x0] =	vst.idx.msk $0xffff, v1;
	v48 =	vadd.s32 v37, v42  }
0x3e: {  	v47 =	vmul.u32 $0x1400, v47;
	[tilespmem:v44+s20+$0x0] =	vst.idx.msk $0xffff, v1;
	v44 =	vadd.s32 v38, v42  }
0x3f: {  	v49 =	vand.u32 $0x380, v49;
	[tilespmem:v45+s20+$0x0] =	vst.idx.msk $0xffff, v1;
	v45 =	vadd.s32 v39, v42  }
0x40: {  	[tilespmem:v46+s20+$0x0] =	vst.idx.msk $0xffff, v1;
	v46 =	vadd.s32 v40, v42;
	v42 =	vor.u32 v49, v47  }
0x41: {  	v47 =	vor.u32 v0, v42;
	[tilespmem:v43+s20+$0x0] =	vst.idx.msk $0xffff, v1;
	v43 =	vadd.s32 v36, v42  }
0x42: {  	v49 =	vor.u32 v2, v42;
	[tilespmem:v48+s20+$0x0] =	vst.idx.msk $0xffff, v1  }
0x43: {  	v48 =	vor.u32 v3, v42;
	[tilespmem:v44+s20+$0x0] =	vst.idx.msk $0xffff, v1  }
0x44: {  	v44 =	vor.u32 v4, v42;
	[tilespmem:v45+s20+$0x0] =	vst.idx.msk $0xffff, v1  }
0x45: {  	v45 =	vor.u32 v5, v42;
	[tilespmem:v46+s20+$0x0] =	vst.idx.msk $0xffff, v1  }
0x46: {  	v46 =	vor.u32 v6, v42;
	[tilespmem:v47+s20+$0x0] =	vst.idx.msk $0xffff, v1  }
0x47: {  	v47 =	vor.u32 v7, v42;
	[tilespmem:v49+s20+$0x0] =	vst.idx.msk $0xffff, v1  }
0x48: {  	[tilespmem:v48+s20+$0x0] =	vst.idx.msk $0xffff, v1;
	v48 =	vor.u32 v8, v42  }
0x49: {  	[tilespmem:v44+s20+$0x0] =	vst.idx.msk $0xffff, v1;
	v44 =	vadd.s32 v9, v42  }
0x4a: {  	[tilespmem:v45+s20+$0x0] =	vst.idx.msk $0xffff, v1;
	v45 =	vadd.s32 v10, v42  }
0x4b: {  	[tilespmem:v46+s20+$0x0] =	vst.idx.msk $0xffff, v1;
	v46 =	vadd.s32 v11, v42  }
0x4c: {  	[tilespmem:v47+s20+$0x0] =	vst.idx.msk $0xffff, v1;
	v47 =	vadd.s32 v12, v42  }
0x4d: {  	[tilespmem:v48+s20+$0x0] =	vst.idx.msk $0xffff, v1;
	v48 =	vadd.s32 v13, v42  }
0x4e: {  	[tilespmem:v44+s20+$0x0] =	vst.idx.msk $0xffff, v1;
	v44 =	vadd.s32 v14, v42  }
0x4f: {  	[tilespmem:v45+s20+$0x0] =	vst.idx.msk $0xffff, v1;
	v45 =	vadd.s32 v15, v42  }
0x50: {  	[tilespmem:v46+s20+$0x0] =	vst.idx.msk $0xffff, v1;
	v46 =	vadd.s32 v16, v42  }
0x51: {  	[tilespmem:v47+s20+$0x0] =	vst.idx.msk $0xffff, v1;
	v47 =	vadd.s32 v17, v42  }
0x52: {  	[tilespmem:v48+s20+$0x0] =	vst.idx.msk $0xffff, v1;
	v48 =	vadd.s32 v18, v42  }
0x53: {  	[tilespmem:v44+s20+$0x0] =	vst.idx.msk $0xffff, v1;
	v44 =	vadd.s32 v19, v42  }
0x54: {  	[tilespmem:v45+s20+$0x0] =	vst.idx.msk $0xffff, v1;
	v45 =	vadd.s32 v20, v42  }
0x55: {  	[tilespmem:v46+s20+$0x0] =	vst.idx.msk $0xffff, v1;
	v46 =	vadd.s32 v21, v42  }
0x56: {  	[tilespmem:v47+s20+$0x0] =	vst.idx.msk $0xffff, v1;
	v47 =	vadd.s32 v22, v42  }
0x57: {  	[tilespmem:v48+s20+$0x0] =	vst.idx.msk $0xffff, v1;
	v48 =	vadd.s32 v23, v42  }
0x58: {  	[tilespmem:v44+s20+$0x0] =	vst.idx.msk $0xffff, v1;
	v44 =	vadd.s32 v24, v42  }
0x59: {  	[tilespmem:v45+s20+$0x0] =	vst.idx.msk $0xffff, v1;
	v45 =	vadd.s32 v25, v42  }
0x5a: {  	[tilespmem:v46+s20+$0x0] =	vst.idx.msk $0xffff, v1;
	v46 =	vadd.s32 v26, v42  }
0x5b: {  	v49 =	vadd.s32 v27, v42;
	[tilespmem:v47+s20+$0x0] =	vst.idx.msk $0xffff, v1  }
0x5c: {  	v50 =	vadd.s32 v28, v42;
	[tilespmem:v48+s20+$0x0] =	vst.idx.msk $0xffff, v1  }
0x5d: {  	v51 =	vadd.s32 v29, v42;
	[tilespmem:v44+s20+$0x0] =	vst.idx.msk $0xffff, v1  }
0x5e: {  	v52 =	vadd.s32 v30, v42;
	[tilespmem:v45+s20+$0x0] =	vst.idx.msk $0xffff, v1  }
.Ltmp0:
0x5f: {  	v47 =	vadd.s32 v31, v42;
	[tilespmem:v46+s20+$0x0] =	vst.idx.msk $0xffff, v1;
	(pc) =	sbr.rel @p1 .LBB2_2-.Ltmp0, $4  }
0x60: {  	v48 =	vadd.s32 v32, v42;
	[tilespmem:v49+s20+$0x0] =	vst.idx.msk $0xffff, v1  }
0x61: {  	v44 =	vadd.s32 v33, v42;
	[tilespmem:v50+s20+$0x0] =	vst.idx.msk $0xffff, v1  }
0x62: {  	v45 =	vadd.s32 v34, v42;
	[tilespmem:v51+s20+$0x0] =	vst.idx.msk $0xffff, v1  }
0x63: {  	v46 =	vadd.s32 v35, v42;
	[tilespmem:v52+s20+$0x0] =	vst.idx.msk $0xffff, v1  }
0x64: {  	_ =	sdelay $0x3  }
0x65: {  	[tilespmem:v47+s20+$0x0] =	vst.idx.msk $0xffff, v1  }
0x66: {  	v60 =	vadd.s32 v37, v42;
	[tilespmem:v48+s20+$0x0] =	vst.idx.msk $0xffff, v1  }
0x67: {  	v61 =	vadd.s32 v38, v42;
	[tilespmem:v44+s20+$0x0] =	vst.idx.msk $0xffff, v1  }
0x68: {  	v62 =	vadd.s32 v39, v42;
	[tilespmem:v45+s20+$0x0] =	vst.idx.msk $0xffff, v1  }
0x69: {  	v63 =	vadd.s32 v40, v42;
	[tilespmem:v46+s20+$0x0] =	vst.idx.msk $0xffff, v1  }
.Ltmp1:
0x6a: {  	[tilespmem:v43+s20+$0x0] =	vst.idx.msk $0xffff, v1;
	(pc) =	sbr.rel @p0 .LBB2_9-.Ltmp1, $4  }
0x6b: {  	[tilespmem:v60+s20+$0x0] =	vst.idx.msk $0xffff, v1  }
0x6c: {  	[tilespmem:v61+s20+$0x0] =	vst.idx.msk $0xffff, v1  }
0x6d: {  	[tilespmem:v62+s20+$0x0] =	vst.idx.msk $0xffff, v1  }
0x6e: {  	[tilespmem:v63+s20+$0x0] =	vst.idx.msk $0xffff, v1  }
0x6f: {  	s17 =	simm.s32 $0x0  }
0x70: {  	v42 =	vmov s17  }
0x71: {  	v43 =	vshll.u32 v42, $0x8;
	v42 =	vshll.u32 v42, $0x7  }
0x72: {  	v43 =	vand.u32 $0x3800, v43;
	v42 =	vand.u32 $0x380, v42  }
0x73: {  	v42 =	vor.u32 v42, v43  }
0x74: {  	s18 =	simm.s32 $0x14C80;
	v44 =	vor.u32 v0, v42  }
0x75: {  	[tilespmem:s18], [sflag:$0x9] =	stream.linear.gather [hbm4b:s8+s17], $0xA0, $0x38;
	v47 =	vor.u32 v2, v42;
	[tilespmem:$0x18D80] =	vst v63  }
0x76: {  	_ =	swait.ge [sflag:s22], $0xA0;
	v48 =	vor.u32 v3, v42  }
0x77: {  	[sflag:s22] =	ssyncset.done $0x0;
	v45 =	vor.u32 v4, v42  }
0x78: {  	[sflag:s22] =	ssyncadd.s32 $0xFFFFFF60;
	v46 =	vor.u32 v5, v42  }
0x79: {  	s18 =	simm.s32 $0x1;
	v43 =	vor.u32 v7, v42;
	[tilespmem:v44+s23+$0x0] =	vst.idx.msk $0xffff, v1;
	v44 =	vor.u32 v6, v42  }
.LBB2_5:
0x7a: {  	v49 =	vmov s18;
	p1 =	sne.s32 s18, $0x3F;
	s18 =	sadd.s32 $0x1, s18;
	[tilespmem:v47+s23+$0x0] =	vst.idx.msk $0xffff, v1  }
0x7b: {  	v50 =	vor.u32 v8, v42;
	v47 =	vshll.u32 v49, $0x8;
	v49 =	vshll.u32 v49, $0x7;
	[tilespmem:v48+s23+$0x0] =	vst.idx.msk $0xffff, v1  }
0x7c: {  	v47 =	vand.u32 $0x3800, v47;
	v48 =	vand.u32 $0x380, v49;
	[tilespmem:v45+s23+$0x0] =	vst.idx.msk $0xffff, v1;
	v49 =	vor.u32 v9, v42  }
0x7d: {  	v51 =	vor.u32 v10, v42;
	[tilespmem:v46+s23+$0x0] =	vst.idx.msk $0xffff, v1;
	v42 =	vor.u32 v48, v47  }
0x7e: {  	v52 =	vor.u32 v0, v42;
	v45 =	vor.u32 v7, v42;
	[tilespmem:v44+s23+$0x0] =	vst.idx.msk $0xffff, v1  }
.Ltmp2:
0x7f: {  	v47 =	vor.u32 v2, v42;
	[tilespmem:v43+s23+$0x0] =	vst.idx.msk $0xffff, v1;
	v43 =	vmov v45;
	(pc) =	sbr.rel @p1 .LBB2_5-.Ltmp2, $4  }
0x80: {  	v48 =	vor.u32 v3, v42;
	[tilespmem:v50+s23+$0x0] =	vst.idx.msk $0xffff, v1  }
0x81: {  	v45 =	vor.u32 v4, v42;
	[tilespmem:v49+s23+$0x0] =	vst.idx.msk $0xffff, v1  }
0x82: {  	v46 =	vor.u32 v5, v42;
	[tilespmem:v51+s23+$0x0] =	vst.idx.msk $0xffff, v1  }
0x83: {  	v44 =	vor.u32 v6, v42;
	[tilespmem:v52+s23+$0x0] =	vst.idx.msk $0xffff, v1  }
0x84: {  	_ =	sdelay $0x3  }
0x85: {  	[tilespmem:v47+s23+$0x0] =	vst.idx.msk $0xffff, v1  }
0x86: {  	v61 =	vor.u32 v8, v42;
	[tilespmem:v48+s23+$0x0] =	vst.idx.msk $0xffff, v1  }
0x87: {  	v62 =	vor.u32 v9, v42;
	[tilespmem:v45+s23+$0x0] =	vst.idx.msk $0xffff, v1  }
0x88: {  	v63 =	vor.u32 v10, v42;
	[tilespmem:v46+s23+$0x0] =	vst.idx.msk $0xffff, v1  }
0x89: {  	[tilespmem:v44+s23+$0x0] =	vst.idx.msk $0xffff, v1  }
0x8a: {  	[tilespmem:v43+s23+$0x0] =	vst.idx.msk $0xffff, v1  }
0x8b: {  	[tilespmem:v61+s23+$0x0] =	vst.idx.msk $0xffff, v1  }
0x8c: {  	[tilespmem:v62+s23+$0x0] =	vst.idx.msk $0xffff, v1  }
0x8d: {  	s18 =	simm.s32 $0x14C80;
	[tilespmem:v63+s23+$0x0] =	vst.idx.msk $0xffff, v1  }
0x8e: {  	s19 =	simm.s32 $0x10;
	v42 =	vld [tilespmem:s18+$0x0]  }
.LBB2_7:
0x8f: {  	p1 =	sne.s32 s19, $0x90;
	_ =	sdelay $0x1  }
0x90: {  	v43 =	vmov s17  }
0x91: {  	v44 =	vor.u32 s17, v0;
	s17 =	smov.u32 s19;
	v43 =	vshll.u32 v43, $0x3  }
0x92: {  	v44 =	vand.u32 $0x7F, v44;
	v43 =	vand.u32 $0x400, v43;
	v45 =	vshll.u32 v42, $0x8  }
0x93: {  	v43 =	vor.u32 v43, v44;
	v42 =	vshll.u32 v42, $0x7;
	v45 =	vand.u32 $0xFFFFF800, v45  }
0x94: {  	v42 =	vand.u32 $0x380, v42;
	v43 =	vor.u32 v45, v43  }
0x95: {  	v42 =	vor.u32 v42, v43;
	_ =	sdelay $0x1  }
.Ltmp3:
0x96: {  	(pc) =	sbr.rel @p1 .LBB2_7-.Ltmp3, $3  }
0x97: {  	_ =	sdelay $0x1  }
0x98: {  	s18 =	sadd.s32 $0x10, s18;
	[tilespmem:v42+s23+$0x0] =	vst.idx.msk $0xffff, v41  }
0x99: {  	s19 =	sadd.s32 $0x10, s19;
	v42 =	vld [tilespmem:s18+$0x0]  }
0x9a: {  	_ =	sdelay $0x1  }
0x9b: {  	v43 =	vmov s17  }
0x9c: {  	v44 =	vor.u32 s17, v0;
	v43 =	vshll.u32 v43, $0x3  }
0x9d: {  	v44 =	vand.u32 $0x7F, v44;
	v43 =	vand.u32 $0x400, v43;
	v45 =	vshll.u32 v42, $0x8  }
0x9e: {  	v43 =	vor.u32 v43, v44;
	v63 =	vshll.u32 v42, $0x7;
	v45 =	vand.u32 $0xFFFFF800, v45  }
0x9f: {  	v42 =	vand.u32 $0x380, v63;
	v43 =	vor.u32 v45, v43  }
0xa0: {  	v42 =	vor.u32 v42, v43;
	_ =	sdelay $0x4  }
0xa1: {  	s19 =	simm.s32 $0x800;
	[tilespmem:v42+s23+$0x0] =	vst.idx.msk $0xffff, v41  }
0xa2: {  	[hbm4b:s9+s19] =	stream.strided.scatter [tilespmem:s23], [sflag:$0x8], $0x4000, s25, s19, $0x38;
	[tilespmem:$0x18D80] =	vst v63  }
.LBB2_9:
0xa3: {  	_ =	swait.ge [sflag:s26], $0x280  }
0xa4: {  	[sflag:s26] =	ssyncset.done $0x0  }
0xa5: {  	s17 =	simm.s32 $0x0;
	[sflag:s26] =	ssyncadd.s32 $0xFFFFFD80  }
0xa6: {  	s18 =	simm.s32 $0x10;
	s19 =	simm.s32 $0x0;
	v42 =	vld [tilespmem:s17+$0x0]  }
.LBB2_10:
0xa7: {  	p1 =	sne.s32 s18, $0x270;
	_ =	sdelay $0x3  }
0xa8: {  	v43 =	vmov s17;
	v44 =	vshrl.u32 v42, $0x3  }
0xa9: {  	v43 =	vshll.u32 v43, $0x3;
	v44 =	vmul.u32 $0x1400, v44  }
0xaa: {  	v43 =	vand.u32 $0x1C00, v43;
	v42 =	vshll.u32 v42, $0x7  }
0xab: {  	v45 =	vor.u32 s17, v0;
	s17 =	smov.u32 s18;
	v42 =	vand.u32 $0x380, v42;
	v43 =	vadd.s32 v43, v44  }
0xac: {  	v44 =	vand.u32 $0x7F, v45;
	v42 =	vor.u32 v42, v43  }
0xad: {  	v42 =	vor.u32 v44, v42;
	_ =	sdelay $0x1  }
.Ltmp4:
0xae: {  	(pc) =	sbr.rel @p1 .LBB2_10-.Ltmp4, $3  }
0xaf: {  	_ =	sdelay $0x1  }
0xb0: {  	s19 =	sadd.s32 $0x10, s19;
	[tilespmem:v42+s20+$0x0] =	vst.idx.msk $0xffff, v41  }
0xb1: {  	s18 =	sadd.s32 $0x10, s18;
	v42 =	vld [tilespmem:s19+$0x0]  }
0xb2: {  	_ =	sdelay $0x3  }
0xb3: {  	v43 =	vmov s17;
	v45 =	vor.u32 s17, v0;
	s19 =	simm.s32 $0x0;
	v44 =	vshrl.u32 v42, $0x3  }
0xb4: {  	v43 =	vshll.u32 v43, $0x3;
	v49 =	vmov s19;
	v44 =	vmul.u32 $0x1400, v44  }
0xb5: {  	v45 =	vand.u32 $0x7F, v45;
	v43 =	vand.u32 $0x1C00, v43;
	v48 =	vshll.u32 v42, $0x7  }
0xb6: {  	v46 =	vshrl.u32 v49, $0x3;
	v42 =	vand.u32 $0x380, v48;
	v43 =	vadd.s32 v43, v44  }
0xb7: {  	v50 =	vshll.u32 v49, $0x7;
	v51 =	vmul.u32 $0x1400, v46;
	v42 =	vor.u32 v42, v43  }
0xb8: {  	v52 =	vand.u32 $0x380, v50;
	v45 =	vor.u32 v45, v42  }
0xb9: {  	v42 =	vor.u32 v52, v51  }
0xba: {  	v53 =	vor.u32 v0, v42  }
0xbb: {  	v44 =	vor.u32 v2, v42  }
0xbc: {  	v54 =	vor.u32 v3, v42  }
0xbd: {  	v55 =	vor.u32 v4, v42;
	[tilespmem:v45+s20+$0x0] =	vst.idx.msk $0xffff, v41  }
0xbe: {  	v47 =	vor.u32 v5, v42;
	[hbm4b:s10+s28] =	stream.strided.scatter [tilespmem:s20], [sflag:$0x6], $0xA000, s25, s28, $0x38;
	[tilespmem:$0x18D80] =	vst v63  }
0xbf: {  	v56 =	vor.u32 v6, v42;
	[tilespmem:v53+s29+$0x0] =	vst.idx.msk $0xffff, v1  }
0xc0: {  	v57 =	vor.u32 v7, v42;
	[tilespmem:v44+s29+$0x0] =	vst.idx.msk $0xffff, v1  }
0xc1: {  	v58 =	vor.u32 v8, v42;
	[tilespmem:v54+s29+$0x0] =	vst.idx.msk $0xffff, v1  }
0xc2: {  	v59 =	vadd.s32 v9, v42;
	[tilespmem:v55+s29+$0x0] =	vst.idx.msk $0xffff, v1  }
0xc3: {  	v60 =	vadd.s32 v10, v42;
	[tilespmem:v47+s29+$0x0] =	vst.idx.msk $0xffff, v1  }
0xc4: {  	v61 =	vadd.s32 v11, v42;
	[tilespmem:v56+s29+$0x0] =	vst.idx.msk $0xffff, v1  }
0xc5: {  	v62 =	vadd.s32 v12, v42;
	[tilespmem:v57+s29+$0x0] =	vst.idx.msk $0xffff, v1  }
0xc6: {  	v63 =	vadd.s32 v13, v42;
	[tilespmem:v58+s29+$0x0] =	vst.idx.msk $0xffff, v1  }
0xc7: {  	v48 =	vadd.s32 v14, v42;
	[tilespmem:v59+s29+$0x0] =	vst.idx.msk $0xffff, v1  }
0xc8: {  	v49 =	vadd.s32 v15, v42;
	[tilespmem:v60+s29+$0x0] =	vst.idx.msk $0xffff, v1  }
0xc9: {  	v50 =	vadd.s32 v16, v42;
	[tilespmem:v61+s29+$0x0] =	vst.idx.msk $0xffff, v1  }
0xca: {  	v51 =	vadd.s32 v17, v42;
	[tilespmem:v62+s29+$0x0] =	vst.idx.msk $0xffff, v1  }
0xcb: {  	v52 =	vadd.s32 v18, v42;
	[tilespmem:v63+s29+$0x0] =	vst.idx.msk $0xffff, v1  }
0xcc: {  	v53 =	vadd.s32 v19, v42;
	[tilespmem:v48+s29+$0x0] =	vst.idx.msk $0xffff, v1  }
0xcd: {  	v54 =	vadd.s32 v20, v42;
	[tilespmem:v49+s29+$0x0] =	vst.idx.msk $0xffff, v1  }
0xce: {  	v55 =	vadd.s32 v21, v42;
	[tilespmem:v50+s29+$0x0] =	vst.idx.msk $0xffff, v1  }
0xcf: {  	v56 =	vadd.s32 v22, v42;
	[tilespmem:v51+s29+$0x0] =	vst.idx.msk $0xffff, v1  }
0xd0: {  	v57 =	vadd.s32 v23, v42;
	[tilespmem:v52+s29+$0x0] =	vst.idx.msk $0xffff, v1  }
0xd1: {  	v58 =	vadd.s32 v24, v42;
	[tilespmem:v53+s29+$0x0] =	vst.idx.msk $0xffff, v1  }
0xd2: {  	v59 =	vadd.s32 v25, v42;
	[tilespmem:v54+s29+$0x0] =	vst.idx.msk $0xffff, v1  }
0xd3: {  	v60 =	vadd.s32 v26, v42;
	[tilespmem:v55+s29+$0x0] =	vst.idx.msk $0xffff, v1  }
0xd4: {  	v61 =	vadd.s32 v27, v42;
	[tilespmem:v56+s29+$0x0] =	vst.idx.msk $0xffff, v1  }
0xd5: {  	v62 =	vadd.s32 v28, v42;
	[tilespmem:v57+s29+$0x0] =	vst.idx.msk $0xffff, v1  }
0xd6: {  	v63 =	vadd.s32 v29, v42;
	[tilespmem:v58+s29+$0x0] =	vst.idx.msk $0xffff, v1  }
0xd7: {  	v49 =	vadd.s32 v30, v42;
	[tilespmem:v59+s29+$0x0] =	vst.idx.msk $0xffff, v1  }
0xd8: {  	v47 =	vadd.s32 v31, v42;
	[tilespmem:v60+s29+$0x0] =	vst.idx.msk $0xffff, v1  }
0xd9: {  	v48 =	vadd.s32 v32, v42;
	[tilespmem:v61+s29+$0x0] =	vst.idx.msk $0xffff, v1  }
0xda: {  	v44 =	vadd.s32 v33, v42;
	[tilespmem:v62+s29+$0x0] =	vst.idx.msk $0xffff, v1  }
0xdb: {  	v45 =	vadd.s32 v34, v42;
	[tilespmem:v63+s29+$0x0] =	vst.idx.msk $0xffff, v1  }
0xdc: {  	s17 =	simm.s32 $0x1;
	v43 =	vadd.s32 v36, v42;
	v46 =	vadd.s32 v35, v42;
	[tilespmem:v49+s29+$0x0] =	vst.idx.msk $0xffff, v1  }
.LBB2_12:
0xdd: {  	v49 =	vmov s17;
	p1 =	sne.s32 s17, $0x3F;
	s17 =	sadd.s32 $0x1, s17;
	[tilespmem:v47+s29+$0x0] =	vst.idx.msk $0xffff, v1  }
0xde: {  	v47 =	vshrl.u32 v49, $0x3;
	v49 =	vshll.u32 v49, $0x7;
	[tilespmem:v48+s29+$0x0] =	vst.idx.msk $0xffff, v1;
	v48 =	vadd.s32 v37, v42  }
0xdf: {  	v47 =	vmul.u32 $0x1400, v47;
	[tilespmem:v44+s29+$0x0] =	vst.idx.msk $0xffff, v1;
	v44 =	vadd.s32 v38, v42  }
0xe0: {  	v49 =	vand.u32 $0x380, v49;
	[tilespmem:v45+s29+$0x0] =	vst.idx.msk $0xffff, v1;
	v45 =	vadd.s32 v39, v42  }
0xe1: {  	[tilespmem:v46+s29+$0x0] =	vst.idx.msk $0xffff, v1;
	v46 =	vadd.s32 v40, v42;
	v42 =	vor.u32 v49, v47  }
0xe2: {  	v47 =	vor.u32 v0, v42;
	[tilespmem:v43+s29+$0x0] =	vst.idx.msk $0xffff, v1;
	v43 =	vadd.s32 v36, v42  }
0xe3: {  	v49 =	vor.u32 v2, v42;
	[tilespmem:v48+s29+$0x0] =	vst.idx.msk $0xffff, v1  }
0xe4: {  	v48 =	vor.u32 v3, v42;
	[tilespmem:v44+s29+$0x0] =	vst.idx.msk $0xffff, v1  }
0xe5: {  	v44 =	vor.u32 v4, v42;
	[tilespmem:v45+s29+$0x0] =	vst.idx.msk $0xffff, v1  }
0xe6: {  	v45 =	vor.u32 v5, v42;
	[tilespmem:v46+s29+$0x0] =	vst.idx.msk $0xffff, v1  }
0xe7: {  	v46 =	vor.u32 v6, v42;
	[tilespmem:v47+s29+$0x0] =	vst.idx.msk $0xffff, v1  }
0xe8: {  	v47 =	vor.u32 v7, v42;
	[tilespmem:v49+s29+$0x0] =	vst.idx.msk $0xffff, v1  }
0xe9: {  	[tilespmem:v48+s29+$0x0] =	vst.idx.msk $0xffff, v1;
	v48 =	vor.u32 v8, v42  }
0xea: {  	[tilespmem:v44+s29+$0x0] =	vst.idx.msk $0xffff, v1;
	v44 =	vadd.s32 v9, v42  }
0xeb: {  	[tilespmem:v45+s29+$0x0] =	vst.idx.msk $0xffff, v1;
	v45 =	vadd.s32 v10, v42  }
0xec: {  	[tilespmem:v46+s29+$0x0] =	vst.idx.msk $0xffff, v1;
	v46 =	vadd.s32 v11, v42  }
0xed: {  	[tilespmem:v47+s29+$0x0] =	vst.idx.msk $0xffff, v1;
	v47 =	vadd.s32 v12, v42  }
0xee: {  	[tilespmem:v48+s29+$0x0] =	vst.idx.msk $0xffff, v1;
	v48 =	vadd.s32 v13, v42  }
0xef: {  	[tilespmem:v44+s29+$0x0] =	vst.idx.msk $0xffff, v1;
	v44 =	vadd.s32 v14, v42  }
0xf0: {  	[tilespmem:v45+s29+$0x0] =	vst.idx.msk $0xffff, v1;
	v45 =	vadd.s32 v15, v42  }
0xf1: {  	[tilespmem:v46+s29+$0x0] =	vst.idx.msk $0xffff, v1;
	v46 =	vadd.s32 v16, v42  }
0xf2: {  	[tilespmem:v47+s29+$0x0] =	vst.idx.msk $0xffff, v1;
	v47 =	vadd.s32 v17, v42  }
0xf3: {  	[tilespmem:v48+s29+$0x0] =	vst.idx.msk $0xffff, v1;
	v48 =	vadd.s32 v18, v42  }
0xf4: {  	[tilespmem:v44+s29+$0x0] =	vst.idx.msk $0xffff, v1;
	v44 =	vadd.s32 v19, v42  }
0xf5: {  	[tilespmem:v45+s29+$0x0] =	vst.idx.msk $0xffff, v1;
	v45 =	vadd.s32 v20, v42  }
0xf6: {  	[tilespmem:v46+s29+$0x0] =	vst.idx.msk $0xffff, v1;
	v46 =	vadd.s32 v21, v42  }
0xf7: {  	[tilespmem:v47+s29+$0x0] =	vst.idx.msk $0xffff, v1;
	v47 =	vadd.s32 v22, v42  }
0xf8: {  	[tilespmem:v48+s29+$0x0] =	vst.idx.msk $0xffff, v1;
	v48 =	vadd.s32 v23, v42  }
0xf9: {  	[tilespmem:v44+s29+$0x0] =	vst.idx.msk $0xffff, v1;
	v44 =	vadd.s32 v24, v42  }
0xfa: {  	[tilespmem:v45+s29+$0x0] =	vst.idx.msk $0xffff, v1;
	v45 =	vadd.s32 v25, v42  }
0xfb: {  	[tilespmem:v46+s29+$0x0] =	vst.idx.msk $0xffff, v1;
	v46 =	vadd.s32 v26, v42  }
0xfc: {  	v49 =	vadd.s32 v27, v42;
	[tilespmem:v47+s29+$0x0] =	vst.idx.msk $0xffff, v1  }
0xfd: {  	v50 =	vadd.s32 v28, v42;
	[tilespmem:v48+s29+$0x0] =	vst.idx.msk $0xffff, v1  }
0xfe: {  	v51 =	vadd.s32 v29, v42;
	[tilespmem:v44+s29+$0x0] =	vst.idx.msk $0xffff, v1  }
0xff: {  	v52 =	vadd.s32 v30, v42;
	[tilespmem:v45+s29+$0x0] =	vst.idx.msk $0xffff, v1  }
.Ltmp5:
0x100: {  	v47 =	vadd.s32 v31, v42;
	[tilespmem:v46+s29+$0x0] =	vst.idx.msk $0xffff, v1;
	(pc) =	sbr.rel @p1 .LBB2_12-.Ltmp5, $4  }
0x101: {  	v48 =	vadd.s32 v32, v42;
	[tilespmem:v49+s29+$0x0] =	vst.idx.msk $0xffff, v1  }
0x102: {  	v44 =	vadd.s32 v33, v42;
	[tilespmem:v50+s29+$0x0] =	vst.idx.msk $0xffff, v1  }
0x103: {  	v45 =	vadd.s32 v34, v42;
	[tilespmem:v51+s29+$0x0] =	vst.idx.msk $0xffff, v1  }
0x104: {  	v46 =	vadd.s32 v35, v42;
	[tilespmem:v52+s29+$0x0] =	vst.idx.msk $0xffff, v1  }
0x105: {  	_ =	sdelay $0x3  }
0x106: {  	[tilespmem:v47+s29+$0x0] =	vst.idx.msk $0xffff, v1  }
0x107: {  	v60 =	vadd.s32 v37, v42;
	[tilespmem:v48+s29+$0x0] =	vst.idx.msk $0xffff, v1  }
0x108: {  	v61 =	vadd.s32 v38, v42;
	[tilespmem:v44+s29+$0x0] =	vst.idx.msk $0xffff, v1  }
0x109: {  	v62 =	vadd.s32 v39, v42;
	[tilespmem:v45+s29+$0x0] =	vst.idx.msk $0xffff, v1  }
0x10a: {  	v63 =	vadd.s32 v40, v42;
	[tilespmem:v46+s29+$0x0] =	vst.idx.msk $0xffff, v1  }
0x10b: {  	[tilespmem:v43+s29+$0x0] =	vst.idx.msk $0xffff, v1  }
0x10c: {  	[tilespmem:v60+s29+$0x0] =	vst.idx.msk $0xffff, v1  }
0x10d: {  	[tilespmem:v61+s29+$0x0] =	vst.idx.msk $0xffff, v1  }
0x10e: {  	[tilespmem:v62+s29+$0x0] =	vst.idx.msk $0xffff, v1  }
0x10f: {  	[tilespmem:v63+s29+$0x0] =	vst.idx.msk $0xffff, v1  }
0x110: {  	_ =	swait.ge [sflag:s30], $0x280  }
0x111: {  	[sflag:s30] =	ssyncset.done $0x0  }
0x112: {  	s18 =	simm.s32 $0x280;
	[sflag:s30] =	ssyncadd.s32 $0xFFFFFD80  }
0x113: {  	s17 =	simm.s32 $0x0;
	s19 =	simm.s32 $0x10;
	v42 =	vld [tilespmem:s18+$0x0]  }
.LBB2_14:
0x114: {  	p1 =	sne.s32 s19, $0x270;
	_ =	sdelay $0x3  }
0x115: {  	v43 =	vmov s17;
	v44 =	vshrl.u32 v42, $0x3  }
0x116: {  	v43 =	vshll.u32 v43, $0x3;
	v44 =	vmul.u32 $0x1400, v44  }
0x117: {  	v43 =	vand.u32 $0x1C00, v43;
	v42 =	vshll.u32 v42, $0x7  }
0x118: {  	v45 =	vor.u32 s17, v0;
	s17 =	smov.u32 s19;
	v42 =	vand.u32 $0x380, v42;
	v43 =	vadd.s32 v43, v44  }
0x119: {  	v44 =	vand.u32 $0x7F, v45;
	v42 =	vor.u32 v42, v43  }
0x11a: {  	v42 =	vor.u32 v44, v42;
	_ =	sdelay $0x1  }
.Ltmp6:
0x11b: {  	(pc) =	sbr.rel @p1 .LBB2_14-.Ltmp6, $3  }
0x11c: {  	_ =	sdelay $0x1  }
0x11d: {  	s18 =	sadd.s32 $0x10, s18;
	[tilespmem:v42+s29+$0x0] =	vst.idx.msk $0xffff, v41  }
0x11e: {  	s19 =	sadd.s32 $0x10, s19;
	v42 =	vld [tilespmem:s18+$0x0]  }
0x11f: {  	_ =	sdelay $0x3  }
0x120: {  	v43 =	vmov s17;
	v44 =	vshrl.u32 v42, $0x3  }
0x121: {  	v43 =	vshll.u32 v43, $0x3;
	v44 =	vmul.u32 $0x1400, v44  }
0x122: {  	v43 =	vand.u32 $0x1C00, v43;
	v62 =	vshll.u32 v42, $0x7  }
0x123: {  	v45 =	vor.u32 s17, v0;
	v42 =	vand.u32 $0x380, v62;
	v43 =	vadd.s32 v43, v44  }
0x124: {  	v63 =	vand.u32 $0x7F, v45;
	v42 =	vor.u32 v42, v43  }
0x125: {  	v42 =	vor.u32 v63, v42;
	_ =	sdelay $0x4  }
0x126: {  	[tilespmem:v42+s29+$0x0] =	vst.idx.msk $0xffff, v41  }
0x127: {  	[hbm4b:s11+s28] =	stream.strided.scatter [tilespmem:s29], [sflag:$0x7], $0xA000, s25, s28, $0x38;
	[tilespmem:$0x18D80] =	vst v63  }
0x128: {  	_ =	swait.ge [sflag:s31], $0xA000  }
0x129: {  	[sflag:s31] =	ssyncset.done $0x0  }
0x12a: {  	s17 =	simm.s32 $0x0;
	[sflag:s31] =	ssyncadd.s32 $0xFFFF6000  }
0x12b: {  	s18 =	simm.s32 $0x10;
	s19 =	simm.s32 $0x0;
	v42 =	vld [tilespmem:s17+$0x0]  }
.LBB2_16:
0x12c: {  	p1 =	sne.s32 s18, $0x270;
	_ =	sdelay $0x3  }
0x12d: {  	v43 =	vmov s17;
	v44 =	vshrl.u32 v42, $0x3  }
0x12e: {  	v43 =	vshll.u32 v43, $0x3;
	v44 =	vmul.u32 $0x1400, v44  }
0x12f: {  	v43 =	vand.u32 $0x1C00, v43;
	v42 =	vshll.u32 v42, $0x7  }
0x130: {  	v45 =	vor.u32 s17, v0;
	s17 =	smov.u32 s18;
	v42 =	vand.u32 $0x380, v42;
	v43 =	vadd.s32 v43, v44  }
0x131: {  	v44 =	vand.u32 $0x7F, v45;
	v42 =	vor.u32 v42, v43  }
0x132: {  	v42 =	vor.u32 v44, v42;
	_ =	sdelay $0x1  }
.Ltmp7:
0x133: {  	(pc) =	sbr.rel @p1 .LBB2_16-.Ltmp7, $3  }
0x134: {  	_ =	sdelay $0x1  }
0x135: {  	s19 =	sadd.s32 $0x10, s19;
	[tilespmem:v42+s20+$0x0] =	vst.idx.msk $0xffff, v1  }
0x136: {  	s18 =	sadd.s32 $0x10, s18;
	v42 =	vld [tilespmem:s19+$0x0]  }
0x137: {  	_ =	sdelay $0x3  }
0x138: {  	v43 =	vmov s17;
	v44 =	vshrl.u32 v42, $0x3  }
0x139: {  	v43 =	vshll.u32 v43, $0x3;
	v44 =	vmul.u32 $0x1400, v44  }
0x13a: {  	v43 =	vand.u32 $0x1C00, v43;
	v62 =	vshll.u32 v42, $0x7  }
0x13b: {  	v45 =	vor.u32 s17, v0;
	v42 =	vand.u32 $0x380, v62;
	v43 =	vadd.s32 v43, v44  }
0x13c: {  	v63 =	vand.u32 $0x7F, v45;
	v42 =	vor.u32 v42, v43  }
0x13d: {  	v42 =	vor.u32 v63, v42;
	_ =	sdelay $0x4  }
0x13e: {  	[tilespmem:v42+s20+$0x0] =	vst.idx.msk $0xffff, v1  }
0x13f: {  	_ =	swait.ge [sflag:s1], $0x280  }
0x140: {  	[sflag:s1] =	ssyncset.done $0x0  }
0x141: {  	s18 =	simm.s32 $0x500;
	[sflag:s1] =	ssyncadd.s32 $0xFFFFFD80  }
0x142: {  	s17 =	simm.s32 $0x0;
	s19 =	simm.s32 $0x10;
	v42 =	vld [tilespmem:s18+$0x0]  }
.LBB2_18:
0x143: {  	p1 =	sne.s32 s19, $0x270;
	_ =	sdelay $0x3  }
0x144: {  	v43 =	vmov s17;
	v44 =	vshrl.u32 v42, $0x3  }
0x145: {  	v43 =	vshll.u32 v43, $0x3;
	v44 =	vmul.u32 $0x1400, v44  }
0x146: {  	v43 =	vand.u32 $0x1C00, v43;
	v42 =	vshll.u32 v42, $0x7  }
0x147: {  	v45 =	vor.u32 s17, v0;
	s17 =	smov.u32 s19;
	v42 =	vand.u32 $0x380, v42;
	v43 =	vadd.s32 v43, v44  }
0x148: {  	v44 =	vand.u32 $0x7F, v45;
	v42 =	vor.u32 v42, v43  }
0x149: {  	v42 =	vor.u32 v44, v42;
	_ =	sdelay $0x1  }
.Ltmp8:
0x14a: {  	(pc) =	sbr.rel @p1 .LBB2_18-.Ltmp8, $3  }
0x14b: {  	_ =	sdelay $0x1  }
0x14c: {  	s18 =	sadd.s32 $0x10, s18;
	[tilespmem:v42+s20+$0x0] =	vst.idx.msk $0xffff, v41  }
0x14d: {  	s19 =	sadd.s32 $0x10, s19;
	v42 =	vld [tilespmem:s18+$0x0]  }
0x14e: {  	_ =	sdelay $0x3  }
0x14f: {  	v43 =	vmov s17;
	v44 =	vshrl.u32 v42, $0x3  }
0x150: {  	v43 =	vshll.u32 v43, $0x3;
	v44 =	vmul.u32 $0x1400, v44  }
0x151: {  	v43 =	vand.u32 $0x1C00, v43;
	v62 =	vshll.u32 v42, $0x7  }
0x152: {  	v45 =	vor.u32 s17, v0;
	v42 =	vand.u32 $0x380, v62;
	v43 =	vadd.s32 v43, v44  }
0x153: {  	v63 =	vand.u32 $0x7F, v45;
	v42 =	vor.u32 v42, v43  }
0x154: {  	v42 =	vor.u32 v63, v42;
	_ =	sdelay $0x4  }
0x155: {  	[tilespmem:v42+s20+$0x0] =	vst.idx.msk $0xffff, v41  }
0x156: {  	[hbm4b:s12+s28] =	stream.strided.scatter [tilespmem:s20], [sflag:$0x6], $0xA000, s25, s28, $0x38;
	[tilespmem:$0x18D80] =	vst v63  }
0x157: {  	_ =	swait.ge [sflag:s0], $0xA000  }
0x158: {  	[sflag:s0] =	ssyncset.done $0x0  }
0x159: {  	s18 =	simm.s32 $0x280;
	[sflag:s0] =	ssyncadd.s32 $0xFFFF6000  }
0x15a: {  	s17 =	simm.s32 $0x0;
	s19 =	simm.s32 $0x10;
	v42 =	vld [tilespmem:s18+$0x0]  }
.LBB2_20:
0x15b: {  	p1 =	sne.s32 s19, $0x270;
	_ =	sdelay $0x3  }
0x15c: {  	v43 =	vmov s17;
	v44 =	vshrl.u32 v42, $0x3  }
0x15d: {  	v43 =	vshll.u32 v43, $0x3;
	v44 =	vmul.u32 $0x1400, v44  }
0x15e: {  	v43 =	vand.u32 $0x1C00, v43;
	v42 =	vshll.u32 v42, $0x7  }
0x15f: {  	v45 =	vor.u32 s17, v0;
	s17 =	smov.u32 s19;
	v42 =	vand.u32 $0x380, v42;
	v43 =	vadd.s32 v43, v44  }
0x160: {  	v44 =	vand.u32 $0x7F, v45;
	v42 =	vor.u32 v42, v43  }
0x161: {  	v42 =	vor.u32 v44, v42;
	_ =	sdelay $0x1  }
.Ltmp9:
0x162: {  	(pc) =	sbr.rel @p1 .LBB2_20-.Ltmp9, $3  }
0x163: {  	_ =	sdelay $0x1  }
0x164: {  	s18 =	sadd.s32 $0x10, s18;
	[tilespmem:v42+s29+$0x0] =	vst.idx.msk $0xffff, v1  }
0x165: {  	s19 =	sadd.s32 $0x10, s19;
	v42 =	vld [tilespmem:s18+$0x0]  }
0x166: {  	_ =	sdelay $0x3  }
0x167: {  	v43 =	vmov s17;
	v44 =	vshrl.u32 v42, $0x3  }
0x168: {  	v43 =	vshll.u32 v43, $0x3;
	v44 =	vmul.u32 $0x1400, v44  }
0x169: {  	v43 =	vand.u32 $0x1C00, v43;
	v62 =	vshll.u32 v42, $0x7  }
0x16a: {  	v45 =	vor.u32 s17, v0;
	v42 =	vand.u32 $0x380, v62;
	v43 =	vadd.s32 v43, v44  }
0x16b: {  	v63 =	vand.u32 $0x7F, v45;
	v42 =	vor.u32 v42, v43  }
0x16c: {  	v42 =	vor.u32 v63, v42;
	_ =	sdelay $0x4  }
0x16d: {  	[tilespmem:v42+s29+$0x0] =	vst.idx.msk $0xffff, v1  }
0x16e: {  	_ =	swait.ge [sflag:s21], $0x280  }
0x16f: {  	[sflag:s21] =	ssyncset.done $0x0  }
0x170: {  	s18 =	simm.s32 $0x780;
	[sflag:s21] =	ssyncadd.s32 $0xFFFFFD80  }
0x171: {  	s17 =	simm.s32 $0x0;
	s19 =	simm.s32 $0x10;
	v42 =	vld [tilespmem:s18+$0x0]  }
.LBB2_22:
0x172: {  	p1 =	sne.s32 s19, $0x270;
	_ =	sdelay $0x3  }
0x173: {  	v43 =	vmov s17;
	v44 =	vshrl.u32 v42, $0x3  }
0x174: {  	v43 =	vshll.u32 v43, $0x3;
	v44 =	vmul.u32 $0x1400, v44  }
0x175: {  	v43 =	vand.u32 $0x1C00, v43;
	v42 =	vshll.u32 v42, $0x7  }
0x176: {  	v45 =	vor.u32 s17, v0;
	s17 =	smov.u32 s19;
	v42 =	vand.u32 $0x380, v42;
	v43 =	vadd.s32 v43, v44  }
0x177: {  	v44 =	vand.u32 $0x7F, v45;
	v42 =	vor.u32 v42, v43  }
0x178: {  	v42 =	vor.u32 v44, v42;
	_ =	sdelay $0x1  }
.Ltmp10:
0x179: {  	(pc) =	sbr.rel @p1 .LBB2_22-.Ltmp10, $3  }
0x17a: {  	_ =	sdelay $0x1  }
0x17b: {  	s18 =	sadd.s32 $0x10, s18;
	[tilespmem:v42+s29+$0x0] =	vst.idx.msk $0xffff, v41  }
0x17c: {  	s19 =	sadd.s32 $0x10, s19;
	v42 =	vld [tilespmem:s18+$0x0]  }
0x17d: {  	_ =	sdelay $0x3  }
0x17e: {  	v43 =	vmov s17;
	v44 =	vshrl.u32 v42, $0x3  }
0x17f: {  	v43 =	vshll.u32 v43, $0x3;
	v44 =	vmul.u32 $0x1400, v44  }
0x180: {  	v43 =	vand.u32 $0x1C00, v43;
	v62 =	vshll.u32 v42, $0x7  }
0x181: {  	v45 =	vor.u32 s17, v0;
	v42 =	vand.u32 $0x380, v62;
	v43 =	vadd.s32 v43, v44  }
0x182: {  	v63 =	vand.u32 $0x7F, v45;
	v42 =	vor.u32 v42, v43  }
0x183: {  	v42 =	vor.u32 v63, v42;
	_ =	sdelay $0x4  }
0x184: {  	[tilespmem:v42+s29+$0x0] =	vst.idx.msk $0xffff, v41  }
0x185: {  	[hbm4b:s13+s28] =	stream.strided.scatter [tilespmem:s29], [sflag:$0x7], $0xA000, s25, s28, $0x38;
	[tilespmem:$0x18D80] =	vst v63  }
0x186: {  	_ =	swait.ge [sflag:s31], $0xA000  }
0x187: {  	[sflag:s31] =	ssyncset.done $0x0  }
0x188: {  	s18 =	simm.s32 $0x500;
	[sflag:s31] =	ssyncadd.s32 $0xFFFF6000  }
0x189: {  	s17 =	simm.s32 $0x0;
	s19 =	simm.s32 $0x10;
	v42 =	vld [tilespmem:s18+$0x0]  }
.LBB2_24:
0x18a: {  	p1 =	sne.s32 s19, $0x270;
	_ =	sdelay $0x3  }
0x18b: {  	v43 =	vmov s17;
	v44 =	vshrl.u32 v42, $0x3  }
0x18c: {  	v43 =	vshll.u32 v43, $0x3;
	v44 =	vmul.u32 $0x1400, v44  }
0x18d: {  	v43 =	vand.u32 $0x1C00, v43;
	v42 =	vshll.u32 v42, $0x7  }
0x18e: {  	v45 =	vor.u32 s17, v0;
	s17 =	smov.u32 s19;
	v42 =	vand.u32 $0x380, v42;
	v43 =	vadd.s32 v43, v44  }
0x18f: {  	v44 =	vand.u32 $0x7F, v45;
	v42 =	vor.u32 v42, v43  }
0x190: {  	v42 =	vor.u32 v44, v42;
	_ =	sdelay $0x1  }
.Ltmp11:
0x191: {  	(pc) =	sbr.rel @p1 .LBB2_24-.Ltmp11, $3  }
0x192: {  	_ =	sdelay $0x1  }
0x193: {  	s18 =	sadd.s32 $0x10, s18;
	[tilespmem:v42+s20+$0x0] =	vst.idx.msk $0xffff, v1  }
0x194: {  	s19 =	sadd.s32 $0x10, s19;
	v42 =	vld [tilespmem:s18+$0x0]  }
0x195: {  	_ =	sdelay $0x3  }
0x196: {  	v43 =	vmov s17;
	v44 =	vshrl.u32 v42, $0x3  }
0x197: {  	v43 =	vshll.u32 v43, $0x3;
	v44 =	vmul.u32 $0x1400, v44  }
0x198: {  	v43 =	vand.u32 $0x1C00, v43;
	v62 =	vshll.u32 v42, $0x7  }
0x199: {  	v45 =	vor.u32 s17, v0;
	v42 =	vand.u32 $0x380, v62;
	v43 =	vadd.s32 v43, v44  }
0x19a: {  	v63 =	vand.u32 $0x7F, v45;
	v42 =	vor.u32 v42, v43  }
0x19b: {  	v42 =	vor.u32 v63, v42;
	_ =	sdelay $0x4  }
0x19c: {  	[tilespmem:v42+s20+$0x0] =	vst.idx.msk $0xffff, v1  }
0x19d: {  	_ =	swait.ge [sflag:s24], $0x280  }
0x19e: {  	[sflag:s24] =	ssyncset.done $0x0  }
0x19f: {  	s18 =	simm.s32 $0xA00;
	[sflag:s24] =	ssyncadd.s32 $0xFFFFFD80  }
0x1a0: {  	s17 =	simm.s32 $0x0;
	s19 =	simm.s32 $0x10;
	v42 =	vld [tilespmem:s18+$0x0]  }
.LBB2_26:
0x1a1: {  	p1 =	sne.s32 s19, $0x270;
	_ =	sdelay $0x3  }
0x1a2: {  	v43 =	vmov s17;
	v44 =	vshrl.u32 v42, $0x3  }
0x1a3: {  	v43 =	vshll.u32 v43, $0x3;
	v44 =	vmul.u32 $0x1400, v44  }
0x1a4: {  	v43 =	vand.u32 $0x1C00, v43;
	v42 =	vshll.u32 v42, $0x7  }
0x1a5: {  	v45 =	vor.u32 s17, v0;
	s17 =	smov.u32 s19;
	v42 =	vand.u32 $0x380, v42;
	v43 =	vadd.s32 v43, v44  }
0x1a6: {  	v44 =	vand.u32 $0x7F, v45;
	v42 =	vor.u32 v42, v43  }
0x1a7: {  	v42 =	vor.u32 v44, v42;
	_ =	sdelay $0x1  }
.Ltmp12:
0x1a8: {  	(pc) =	sbr.rel @p1 .LBB2_26-.Ltmp12, $3  }
0x1a9: {  	_ =	sdelay $0x1  }
0x1aa: {  	s18 =	sadd.s32 $0x10, s18;
	[tilespmem:v42+s20+$0x0] =	vst.idx.msk $0xffff, v41  }
0x1ab: {  	s19 =	sadd.s32 $0x10, s19;
	v42 =	vld [tilespmem:s18+$0x0]  }
0x1ac: {  	_ =	sdelay $0x3  }
0x1ad: {  	v43 =	vmov s17;
	v44 =	vshrl.u32 v42, $0x3  }
0x1ae: {  	v43 =	vshll.u32 v43, $0x3;
	v44 =	vmul.u32 $0x1400, v44  }
0x1af: {  	v43 =	vand.u32 $0x1C00, v43;
	v62 =	vshll.u32 v42, $0x7  }
0x1b0: {  	v45 =	vor.u32 s17, v0;
	v42 =	vand.u32 $0x380, v62;
	v43 =	vadd.s32 v43, v44  }
0x1b1: {  	v63 =	vand.u32 $0x7F, v45;
	v42 =	vor.u32 v42, v43  }
0x1b2: {  	v42 =	vor.u32 v63, v42;
	_ =	sdelay $0x4  }
0x1b3: {  	s17 =	simm.s32 @!p0 $0x8;
	[tilespmem:v42+s20+$0x0] =	vst.idx.msk $0xffff, v41  }
0x1b4: {  	[hbm4b:s14+s28] =	stream.strided.scatter [tilespmem:s20], [sflag:$0x6], $0xA000, s25, s28, $0x38;
	[tilespmem:$0x18D80] =	vst v63  }
0x1b5: {  	_ =	swait.ge @!p0 [sflag:s17], $0x4000  }
0x1b6: {  	[sflag:s17] =	ssyncset.done @!p0 $0x0  }
0x1b7: {  	s16 =	sadd.s32 $0x1, s16;
	[sflag:s17] =	ssyncadd.s32 @!p0 $0xFFFFC000  }
0x1b8: {  	p1 =	sne.s32 s16, s15;
	_ =	swait.ge [sflag:s31], $0xA000  }
.Ltmp13:
0x1b9: {  	[sflag:s31] =	ssyncset.done $0x0;
	(pc) =	sbr.rel @p1 .LBB2_1-.Ltmp13, $4  }
0x1ba: {  	[sflag:s31] =	ssyncadd.s32 $0xFFFF6000  }
0x1bb: {  	_ =	swait.ge [sflag:s0], $0xA000  }
0x1bc: {  	[sflag:s0] =	ssyncset.done $0x0  }
0x1bd: {  	[sflag:s0] =	ssyncadd.s32 $0xFFFF6000  }
0x1be: {  	_ =	sfence.sel $0x180000  }
0x1bf: {  	[bflag:$0x0] =	sbarrier.arrive $0xFFFF  }
0x1c0: {  	_ =	strace $0x90000047  }
0x1c1: {  	s0 =	stileid.u32;
	[bflag:$0x2] =	sbarrier.arrive $0xFFFF  }
0x1c2: {  	p0 =	sne.s32 s0, $0x0;
	s0 =	rddreg [dreg:$0x2]  }
0x1c3: {  	s0 =	sadd.s32 @!p0 $0x100000, s0  }
0x1c4: {  	[sflag:s0] =	ssyncadd.tile.s32 @!p0 $0x1;
	_ =	shalt  }
.Lfunc_end2:
_tile_overlayer_lowered:
.L_overlay_start_2:
0x1c5: {  	(tag) =	ssettag $0x2  }
0x1c6: {  	s0 =	rddreg [dreg:$0x0];
	s2 =	stileid.u32  }
0x1c7: {  	s1 =	rddreg [dreg:$0x1];
	p0 =	sne.s32 s2, $0x0  }
0x1c8: {  	s3 =	rddreg [dreg:$0x2];
	[bflag:$0x3] =	sbarrier.arrive $0xFFFF;
	s2 =	simm.s32 @!p0 $0x1C09  }
0x1c9: {  	[timem:s3], [sflag:s2] =	dma.local @!p0 [hbm:s0], s1  }
0x1ca: {  	s0 =	simm.s32 @!p0 $0x9  }
0x1cb: {  	_ =	swait.ge @!p0 [sflag:s0], s1  }
0x1cc: {  	s1 =	ssub.s32 @!p0 $0x0, s1;
	[sflag:s0] =	ssyncset.done @!p0 $0x0  }
0x1cd: {  	[sflag:s0] =	ssyncadd.s32 @!p0 s1  }
0x1ce: {  	[bflag:$0x3] =	sbarrier.arrive $0xFFFF  }
0x1cf: {  	_ =	shalt  }

</sc_bundles>
